<compile_context>
chip_gen: v7x
topology: tpu7x:2x2x1
jax: 0.10.2.dev20260603
libtpu: 0.0.44.dev20260713+nightly
codegen_flags: <defaults>
</compile_context>

<pallas_src>
import functools

import jax
import jax.numpy as jnp
import numpy as np
from jax import lax
from jax.experimental import pallas as pl
from jax.experimental.pallas import tpu as pltpu
from jax.experimental.pallas import tpu_sc as plsc

N_NODES = 10000
N_EDGES = 320000
HIDDEN = 128
NUM_RBF = 16
CUTOFF = 5.0

_NC = 2
_NS = 16
_NW = _NC * _NS
_EPW = N_EDGES // _NW
_W = 80
_NCHUNK = _EPW // _W
_SUP = 5
_SW = _SUP * _W
_NSUP = _EPW // _SW
_RPS = 624
_TAIL = N_NODES - _NS * _RPS
_TAIL_OFF = _NS * _RPS

_sc_mesh = plsc.VectorSubcoreMesh(core_axis_name="c", subcore_axis_name="s")

BE = 6400



def _lin1_body(x_ref, w_ref, o_ref):
    o_ref[...] = jnp.dot(x_ref[...], w_ref[...],
                         preferred_element_type=jnp.float32)


def _cutoff_body(ew_ref, o_ref):
    w = ew_ref[...]
    c = 0.5 * (jnp.cos(w * (np.pi / CUTOFF)) + 1.0)
    o_ref[...] = c * (w < CUTOFF).astype(jnp.float32)


def _modulate_body(ea_ref, c_ref, g_ref, wf1_ref, bf1_ref, wf2_ref, bf2_ref,
                   o_ref):
    t = jnp.tanh(jnp.dot(ea_ref[...], wf1_ref[...],
                         preferred_element_type=jnp.float32) + bf1_ref[...])
    f = jnp.dot(t, wf2_ref[...],
                preferred_element_type=jnp.float32) + bf2_ref[...]
    gf = g_ref[...] * f
    gf3 = gf.reshape(BE // HIDDEN, HIDDEN, HIDDEN)
    o_ref[...] = (gf3 * c_ref[0][:, :, None]).reshape(BE, HIDDEN)


def _out_body(p_ref, wl2_ref, bl2_ref, wo_ref, bo_ref, o_ref):
    a = p_ref[0] + p_ref[1]
    h = jnp.tanh(jnp.dot(a, wl2_ref[...],
                         preferred_element_type=jnp.float32) + bl2_ref[...])
    o_ref[...] = jnp.dot(h, wo_ref[...],
                         preferred_element_type=jnp.float32) + bo_ref[...]



@functools.partial(
    pl.kernel,
    mesh=_sc_mesh,
    out_type=jax.ShapeDtypeStruct((N_EDGES, HIDDEN), jnp.float32),
    scratch_types=[
        pltpu.VMEM((_EPW,), jnp.int32),
        pltpu.VMEM((_SW, HIDDEN), jnp.float32),
        pltpu.VMEM((_SW, HIDDEN), jnp.float32),
        pltpu.SemaphoreType.DMA,
        pltpu.SemaphoreType.DMA,
        pltpu.SemaphoreType.DMA,
        pltpu.SemaphoreType.DMA,
    ],
)
def _sc_gather(h_hbm, src_hbm, out_hbm, idx_v, r0, r1, g0, g1, w0, w1):
    wid = lax.axis_index("s") * _NC + lax.axis_index("c")
    base = wid * _EPW
    pltpu.sync_copy(src_hbm.at[pl.ds(base, _EPW)], idx_v)

    def _fire(i, buf, sem):
        for b in range(_SUP):
            pltpu.make_async_copy(
                h_hbm.at[idx_v.at[pl.ds(i * _SW + b * _W, _W)]],
                buf.at[pl.ds(b * _W, _W)], sem).start()

    def _drain(i, buf, sem):
        for b in range(_SUP):
            pltpu.make_async_copy(
                h_hbm.at[idx_v.at[pl.ds(i * _SW + b * _W, _W)]],
                buf.at[pl.ds(b * _W, _W)], sem).wait()

    def _wb(i, buf, sem):
        pltpu.make_async_copy(
            buf, out_hbm.at[pl.ds(base + i * _SW, _SW)], sem).start()

    def _wwait(i, buf, sem):
        pltpu.make_async_copy(
            buf, out_hbm.at[pl.ds(base + i * _SW, _SW)], sem).wait()

    _fire(0, r0, g0)
    _fire(1, r1, g1)

    @pl.loop(0, _NSUP - 1, step=2)
    def _(i):
        _drain(i, r0, g0)
        _wb(i, r0, w0)
        _wwait(i, r0, w0)
        _fire(i + 2, r0, g0)
        _drain(i + 1, r1, g1)
        _wb(i + 1, r1, w1)
        _wwait(i + 1, r1, w1)

        @pl.when(i + 3 < _NSUP)
        def _():
            _fire(i + 3, r1, g1)

    _drain(_NSUP - 1, r0, g0)
    _wb(_NSUP - 1, r0, w0)
    _wwait(_NSUP - 1, r0, w0)


@functools.partial(
    pl.kernel,
    mesh=_sc_mesh,
    out_type=jax.ShapeDtypeStruct((_NC, N_NODES, HIDDEN), jnp.float32),
    scratch_types=[
        pltpu.VMEM((_NCHUNK, _W), jnp.int32),
        pltpu.VMEM((_W, HIDDEN), jnp.float32),
        pltpu.VMEM((_W, HIDDEN), jnp.float32),
        pltpu.VMEM_SHARED((N_NODES, HIDDEN), jnp.float32),
        pltpu.SemaphoreType.DMA,
        pltpu.SemaphoreType.DMA,
    ],
)
def _sc_scatter(msg_hbm, dst3_hbm, zeros_hbm, out_hbm, idx2_v, m0, m1, agg_sp,
                s0, s1):
    cid = lax.axis_index("c")
    sid = lax.axis_index("s")
    pltpu.sync_copy(zeros_hbm.at[pl.ds(sid * _RPS, _RPS)],
                    agg_sp.at[pl.ds(sid * _RPS, _RPS)])

    wid = sid * _NC + cid
    base = wid * _EPW
    pltpu.sync_copy(dst3_hbm.at[wid], idx2_v)

    @pl.when(sid == _NS - 1)
    def _():
        pltpu.sync_copy(zeros_hbm.at[pl.ds(_TAIL_OFF, _TAIL)],
                        agg_sp.at[pl.ds(_TAIL_OFF, _TAIL)])

    plsc.subcore_barrier()

    def _mload(c, buf, sem):
        pltpu.make_async_copy(
            msg_hbm.at[pl.ds(base + c * _W, _W)], buf, sem).start()

    def _mwait(c, buf, sem):
        pltpu.make_async_copy(
            msg_hbm.at[pl.ds(base + c * _W, _W)], buf, sem).wait()

    _mload(0, m0, s0)
    _mload(1, m1, s1)

    @pl.loop(0, _NCHUNK - 1, step=2)
    def _(c):
        _mwait(c, m0, s0)
        pltpu.sync_copy(m0, agg_sp.at[idx2_v.at[c]], add=True)
        _mload(c + 2, m0, s0)
        _mwait(c + 1, m1, s1)
        pltpu.sync_copy(m1, agg_sp.at[idx2_v.at[c + 1]], add=True)

        @pl.when(c + 3 < _NCHUNK)
        def _():
            _mload(c + 3, m1, s1)

    _mwait(_NCHUNK - 1, m0, s0)
    pltpu.sync_copy(m0, agg_sp.at[idx2_v.at[_NCHUNK - 1]], add=True)

    plsc.subcore_barrier()
    pltpu.sync_copy(agg_sp.at[pl.ds(sid * _RPS, _RPS)],
                    out_hbm.at[cid, pl.ds(sid * _RPS, _RPS)])

    @pl.when(sid == _NS - 1)
    def _():
        pltpu.sync_copy(agg_sp.at[pl.ds(_TAIL_OFF, _TAIL)],
                        out_hbm.at[cid, pl.ds(_TAIL_OFF, _TAIL)])



def kernel(x, edge_index, edge_weight, edge_attr,
           W_f1, b_f1, W_f2, b_f2, W_lin1, W_lin2, b_lin2, W_out, b_out):
    src = edge_index[0]
    dst = edge_index[1]
    ew2d = edge_weight.reshape(N_EDGES // HIDDEN, HIDDEN)
    bf1 = b_f1.reshape(1, HIDDEN)
    bf2 = b_f2.reshape(1, HIDDEN)
    bl2 = b_lin2.reshape(1, HIDDEN)
    bo = b_out.reshape(1, HIDDEN)
    zeros = jnp.zeros((N_NODES, HIDDEN), jnp.float32)

    cdense = pl.pallas_call(
        _cutoff_body,
        out_shape=jax.ShapeDtypeStruct((N_EDGES // HIDDEN, HIDDEN),
                                       jnp.float32),
    )(ew2d)

    h = pl.pallas_call(
        _lin1_body,
        out_shape=jax.ShapeDtypeStruct((N_NODES, HIDDEN), jnp.float32),
    )(x, W_lin1)

    g = _sc_gather(h, src)

    nblk = N_EDGES // BE
    msg = pl.pallas_call(
        _modulate_body,
        grid=(nblk,),
        in_specs=[
            pl.BlockSpec((BE, NUM_RBF), lambda i: (i, 0)),
            pl.BlockSpec((1, BE // HIDDEN, HIDDEN), lambda i: (i, 0, 0)),
            pl.BlockSpec((BE, HIDDEN), lambda i: (i, 0)),
            pl.BlockSpec((NUM_RBF, HIDDEN), lambda i: (0, 0)),
            pl.BlockSpec((1, HIDDEN), lambda i: (0, 0)),
            pl.BlockSpec((HIDDEN, HIDDEN), lambda i: (0, 0)),
            pl.BlockSpec((1, HIDDEN), lambda i: (0, 0)),
        ],
        out_specs=pl.BlockSpec((BE, HIDDEN), lambda i: (i, 0)),
        out_shape=jax.ShapeDtypeStruct((N_EDGES, HIDDEN), jnp.float32),
    )(edge_attr, cdense.reshape(nblk, BE // HIDDEN, HIDDEN),
      g, W_f1, bf1, W_f2, bf2)

    dst3 = dst.reshape(_NW, _NCHUNK, _W)
    parts = _sc_scatter(msg, dst3, zeros)

    out = pl.pallas_call(
        _out_body,
        out_shape=jax.ShapeDtypeStruct((N_NODES, HIDDEN), jnp.float32),
    )(parts, W_lin2, bl2, W_out, bo)
    return out

# --- scband reference (transcript-rebuilt; emitter-appended) ---
"""Pipeline reference for scband-interaction-block-6820408066709 (READ-ONLY COPY).

The authoritative reference and input builder live on the scoring server;
editing this copy changes nothing except your own understanding.
"""

import jax, jax.numpy as jnp
import numpy as np

N_NODES = 10000
N_EDGES = 320000
HIDDEN = 128
NUM_RBF = 16
CUTOFF = 5.0


def _xavier(key, fan_in, fan_out):
    bound = float(np.sqrt(6.0 / (fan_in + fan_out)))
    return jax.random.uniform(key, (fan_in, fan_out), minval=-bound, maxval=bound, dtype=jnp.float32)


def setup_inputs(seed: int = 0) -> dict:
    key = jax.random.key(seed)
    ks = jax.random.split(key, 12)
    x = jax.random.normal(ks[0], (N_NODES, HIDDEN), dtype=jnp.float32)
    edge_index = jax.random.randint(ks[1], (2, N_EDGES), 0, N_NODES, dtype=jnp.int32)
    edge_weight = jax.random.uniform(ks[2], (N_EDGES,), minval=0.0, maxval=CUTOFF, dtype=jnp.float32)
    edge_attr = jax.random.normal(ks[3], (N_EDGES, NUM_RBF), dtype=jnp.float32)
    return {
        "x": x,
        "edge_index": edge_index,
        "edge_weight": edge_weight,
        "edge_attr": edge_attr,
        # CFConv filter-generating network (num_rbf -> hidden -> hidden)
        "W_f1": _xavier(ks[4], NUM_RBF, HIDDEN), "b_f1": jnp.zeros((HIDDEN,), jnp.float32),
        "W_f2": _xavier(ks[5], HIDDEN, HIDDEN), "b_f2": jnp.zeros((HIDDEN,), jnp.float32),
        # CFConv lin1 (no bias) and lin2
        "W_lin1": _xavier(ks[6], HIDDEN, HIDDEN),
        "W_lin2": _xavier(ks[7], HIDDEN, HIDDEN), "b_lin2": jnp.zeros((HIDDEN,), jnp.float32),
        # InteractionBlock output linear
        "W_out": _xavier(ks[8], HIDDEN, HIDDEN), "b_out": jnp.zeros((HIDDEN,), jnp.float32),
    }


def reference(x, edge_index, edge_weight, edge_attr,
              W_f1, b_f1, W_f2, b_f2, W_lin1, W_lin2, b_lin2, W_out, b_out) -> jnp.ndarray:
    src = edge_index[0]
    dst = edge_index[1]
    # cosine cutoff on edge distances
    C = 0.5 * (jnp.cos(edge_weight * jnp.pi / CUTOFF) + 1.0)
    C = C * (edge_weight < CUTOFF).astype(jnp.float32)
    # filter network on rbf-expanded distances
    Wfilt = jnp.tanh(edge_attr @ W_f1 + b_f1)
    Wfilt = (Wfilt @ W_f2 + b_f2) * C[:, None]
    # continuous-filter convolution: lin1 -> gather -> modulate -> scatter-add -> lin2
    h = x @ W_lin1
    msg = jnp.take(h, src, axis=0) * Wfilt
    agg = jnp.zeros((x.shape[0], HIDDEN), dtype=jnp.float32).at[dst].add(msg)
    h = agg @ W_lin2 + b_lin2
    # InteractionBlock: activation then linear
    h = jnp.tanh(h)
    out = h @ W_out + b_out
    return out

if __name__ == "__main__":
    import jax
    _d = setup_inputs()
    print(jax.jit(kernel)(*tuple(_d.values())))

</pallas_src>

<mosaic_0001>
#map = affine_map<(d0, d1) -> (0, 0)>
#map1 = affine_map<(d0, d1) -> (0, 0, 0)>
module attributes {stable_mosaic.version = 14 : i64} {
  func.func @_sc_scatter(%arg0: i32, %arg1: i32, %arg2: memref<320000x128xf32, #tpu.memory_space<hbm>>, %arg3: memref<32x125x80xi32, #tpu.memory_space<hbm>>, %arg4: memref<10000x128xf32, #tpu.memory_space<hbm>>, %arg5: memref<2x10000x128xf32, #tpu.memory_space<hbm>>, %arg6: memref<125x80xi32, #tpu.memory_space<vmem>>, %arg7: memref<80x128xf32, #tpu.memory_space<vmem>>, %arg8: memref<80x128xf32, #tpu.memory_space<vmem>>, %arg9: memref<10000x128xf32, #tpu.memory_space<vmem_shared>>, %arg10: memref<!tpu.dma_semaphore, #tpu.memory_space<semaphore_mem>>, %arg11: memref<!tpu.dma_semaphore, #tpu.memory_space<semaphore_mem>>) attributes {dimension_semantics = [#tpu.dimension_semantics<core_parallel>, #tpu.dimension_semantics<subcore_parallel>], iteration_bounds = array<i64: 2, 16>, scalar_prefetch = 0 : i64, scratch_operands = 6 : i64, tpu.core_type = #tpu.core_type<sc_vector_subcore>, window_params = [{transform_indices = #map}, {transform_indices = #map1}, {transform_indices = #map}, {transform_indices = #map1}]} {
    %mul3A = arith.constant 624 : i32
    %mul3A_0 = arith.muli %arg1, %mul3A : i32
    %mul3A_1 = arith.constant 624 : i32
    %mul3A_2 = arith.muli %arg1, %mul3A_1 : i32
    "tpu.region"() ({
      %run_scoped3A_39 = tpu.sem_alloc : memref<!tpu.dma_semaphore, #tpu.memory_space<semaphore_mem>>
      %dma_start3A_40 = arith.constant 0 : i32
      %dma_start3A_41 = tpu.memref_slice %arg9[%mul3A_2, %dma_start3A_40] : memref<10000x128xf32, #tpu.memory_space<vmem_shared>> -> memref<624x128xf32, #tpu.memory_space<vmem_shared>>
      %dma_start3A_42 = arith.constant 0 : i32
      %dma_start3A_43 = tpu.memref_slice %arg4[%mul3A_0, %dma_start3A_42] : memref<10000x128xf32, #tpu.memory_space<hbm>> -> memref<624x128xf32, #tpu.memory_space<hbm>>
      tpu.enqueue_dma source(%dma_start3A_43 : memref<624x128xf32, #tpu.memory_space<hbm>>) target(%dma_start3A_41 : memref<624x128xf32, #tpu.memory_space<vmem_shared>>) target_semaphore(%run_scoped3A_39 : memref<!tpu.dma_semaphore, #tpu.memory_space<semaphore_mem>>)
      %dma_wait3A_44 = arith.constant 0 : i32
      %dma_wait3A_45 = tpu.memref_slice %arg9[%mul3A_2, %dma_wait3A_44] : memref<10000x128xf32, #tpu.memory_space<vmem_shared>> -> memref<624x128xf32, #tpu.memory_space<vmem_shared>>
      %dma_wait3A_46 = arith.constant 0 : i32
      %dma_wait3A_47 = tpu.memref_slice %arg4[%mul3A_0, %dma_wait3A_46] : memref<10000x128xf32, #tpu.memory_space<hbm>> -> memref<624x128xf32, #tpu.memory_space<hbm>>
      tpu.wait_dma2 semaphore(%run_scoped3A_39 : memref<!tpu.dma_semaphore, #tpu.memory_space<semaphore_mem>>) src(%dma_wait3A_47 : memref<624x128xf32, #tpu.memory_space<hbm>>) dst(%dma_wait3A_45 : memref<624x128xf32, #tpu.memory_space<vmem_shared>>)
      tpu.yield
    }) : () -> ()
    %mul3A_3 = arith.constant 2 : i32
    %mul3A_4 = arith.muli %arg1, %mul3A_3 : i32
    %add3A = arith.addi %mul3A_4, %arg0 : i32
    %mul3A_5 = arith.constant 10000 : i32
    %mul3A_6 = arith.muli %add3A, %mul3A_5 : i32
    "tpu.region"() ({
      %run_scoped3A_39 = tpu.sem_alloc : memref<!tpu.dma_semaphore, #tpu.memory_space<semaphore_mem>>
      %dma_start3A_40 = arith.constant 0 : i32
      %dma_start3A_41 = arith.constant 0 : i32
      %dma_start3A_42 = tpu.memref_slice %arg3[%add3A, %dma_start3A_40, %dma_start3A_41] : memref<32x125x80xi32, #tpu.memory_space<hbm>> -> memref<1x125x80xi32, #tpu.memory_space<hbm>>
      %dma_start3A_43 = tpu.memref_squeeze %dma_start3A_42 : memref<1x125x80xi32, #tpu.memory_space<hbm>> -> memref<125x80xi32, #tpu.memory_space<hbm>>
      %dma_start3A_44 = arith.constant 0 : i32
      %dma_start3A_45 = arith.constant 0 : i32
      %dma_start3A_46 = tpu.memref_slice %arg3[%add3A, %dma_start3A_44, %dma_start3A_45] : memref<32x125x80xi32, #tpu.memory_space<hbm>> -> memref<1x125x80xi32, #tpu.memory_space<hbm>>
      %dma_start3A_47 = tpu.memref_squeeze %dma_start3A_46 : memref<1x125x80xi32, #tpu.memory_space<hbm>> -> memref<125x80xi32, #tpu.memory_space<hbm>>
      tpu.enqueue_dma source(%dma_start3A_47 : memref<125x80xi32, #tpu.memory_space<hbm>>) target(%arg6 : memref<125x80xi32, #tpu.memory_space<vmem>>) target_semaphore(%run_scoped3A_39 : memref<!tpu.dma_semaphore, #tpu.memory_space<semaphore_mem>>)
      %dma_wait3A_48 = arith.constant 0 : i32
      %dma_wait3A_49 = arith.constant 0 : i32
      %dma_wait3A_50 = tpu.memref_slice %arg3[%add3A, %dma_wait3A_48, %dma_wait3A_49] : memref<32x125x80xi32, #tpu.memory_space<hbm>> -> memref<1x125x80xi32, #tpu.memory_space<hbm>>
      %dma_wait3A_51 = tpu.memref_squeeze %dma_wait3A_50 : memref<1x125x80xi32, #tpu.memory_space<hbm>> -> memref<125x80xi32, #tpu.memory_space<hbm>>
      %dma_wait3A_52 = arith.constant 0 : i32
      %dma_wait3A_53 = arith.constant 0 : i32
      %dma_wait3A_54 = tpu.memref_slice %arg3[%add3A, %dma_wait3A_52, %dma_wait3A_53] : memref<32x125x80xi32, #tpu.memory_space<hbm>> -> memref<1x125x80xi32, #tpu.memory_space<hbm>>
      %dma_wait3A_55 = tpu.memref_squeeze %dma_wait3A_54 : memref<1x125x80xi32, #tpu.memory_space<hbm>> -> memref<125x80xi32, #tpu.memory_space<hbm>>
      tpu.wait_dma2 semaphore(%run_scoped3A_39 : memref<!tpu.dma_semaphore, #tpu.memory_space<semaphore_mem>>) src(%dma_wait3A_55 : memref<125x80xi32, #tpu.memory_space<hbm>>) dst(%arg6 : memref<125x80xi32, #tpu.memory_space<vmem>>)
      tpu.yield
    }) : () -> ()
    %eq3A = arith.constant 15 : i32
    %eq3A_7 = arith.cmpi eq, %arg1, %eq3A : i32
    %convert_element_type3A = arith.extui %eq3A_7 : i1 to i32
    %cond3A = arith.constant 0 : i32
    %cond3A_8 = arith.cmpi ne, %convert_element_type3A, %cond3A : i32
    scf.if %cond3A_8 {
      "tpu.region"() ({
        %run_scoped3A_39 = tpu.sem_alloc : memref<!tpu.dma_semaphore, #tpu.memory_space<semaphore_mem>>
        %dma_start3A_40 = arith.constant 9984 : i32
        %dma_start3A_41 = arith.constant 0 : i32
        %dma_start3A_42 = tpu.memref_slice %arg9[%dma_start3A_40, %dma_start3A_41] : memref<10000x128xf32, #tpu.memory_space<vmem_shared>> -> memref<16x128xf32, #tpu.memory_space<vmem_shared>>
        %dma_start3A_43 = arith.constant 9984 : i32
        %dma_start3A_44 = arith.constant 0 : i32
        %dma_start3A_45 = tpu.memref_slice %arg4[%dma_start3A_43, %dma_start3A_44] : memref<10000x128xf32, #tpu.memory_space<hbm>> -> memref<16x128xf32, #tpu.memory_space<hbm>>
        tpu.enqueue_dma source(%dma_start3A_45 : memref<16x128xf32, #tpu.memory_space<hbm>>) target(%dma_start3A_42 : memref<16x128xf32, #tpu.memory_space<vmem_shared>>) target_semaphore(%run_scoped3A_39 : memref<!tpu.dma_semaphore, #tpu.memory_space<semaphore_mem>>)
        %dma_wait3A_46 = arith.constant 9984 : i32
        %dma_wait3A_47 = arith.constant 0 : i32
        %dma_wait3A_48 = tpu.memref_slice %arg9[%dma_wait3A_46, %dma_wait3A_47] : memref<10000x128xf32, #tpu.memory_space<vmem_shared>> -> memref<16x128xf32, #tpu.memory_space<vmem_shared>>
        %dma_wait3A_49 = arith.constant 9984 : i32
        %dma_wait3A_50 = arith.constant 0 : i32
        %dma_wait3A_51 = tpu.memref_slice %arg4[%dma_wait3A_49, %dma_wait3A_50] : memref<10000x128xf32, #tpu.memory_space<hbm>> -> memref<16x128xf32, #tpu.memory_space<hbm>>
        tpu.wait_dma2 semaphore(%run_scoped3A_39 : memref<!tpu.dma_semaphore, #tpu.memory_space<semaphore_mem>>) src(%dma_wait3A_51 : memref<16x128xf32, #tpu.memory_space<hbm>>) dst(%dma_wait3A_48 : memref<16x128xf32, #tpu.memory_space<vmem_shared>>)
        tpu.yield
      }) : () -> ()
    } else {
    }
    %barrier3A = arith.constant 0 : index
    tpu.barrier barrier_id(%barrier3A)
    %add3A_9 = arith.constant 0 : i32
    %add3A_10 = arith.addi %mul3A_6, %add3A_9 : i32
    %dma_start3A = arith.constant 0 : i32
    %dma_start3A_11 = tpu.memref_slice %arg2[%add3A_10, %dma_start3A] : memref<320000x128xf32, #tpu.memory_space<hbm>> -> memref<80x128xf32, #tpu.memory_space<hbm>>
    %dma_start3A_12 = arith.constant 0 : i32
    %dma_start3A_13 = tpu.memref_slice %arg2[%add3A_10, %dma_start3A_12] : memref<320000x128xf32, #tpu.memory_space<hbm>> -> memref<80x128xf32, #tpu.memory_space<hbm>>
    tpu.enqueue_dma source(%dma_start3A_13 : memref<80x128xf32, #tpu.memory_space<hbm>>) target(%arg7 : memref<80x128xf32, #tpu.memory_space<vmem>>) target_semaphore(%arg10 : memref<!tpu.dma_semaphore, #tpu.memory_space<semaphore_mem>>)
    %add3A_14 = arith.constant 80 : i32
    %add3A_15 = arith.addi %mul3A_6, %add3A_14 : i32
    %dma_start3A_16 = arith.constant 0 : i32
    %dma_start3A_17 = tpu.memref_slice %arg2[%add3A_15, %dma_start3A_16] : memref<320000x128xf32, #tpu.memory_space<hbm>> -> memref<80x128xf32, #tpu.memory_space<hbm>>
    %dma_start3A_18 = arith.constant 0 : i32
    %dma_start3A_19 = tpu.memref_slice %arg2[%add3A_15, %dma_start3A_18] : memref<320000x128xf32, #tpu.memory_space<hbm>> -> memref<80x128xf32, #tpu.memory_space<hbm>>
    tpu.enqueue_dma source(%dma_start3A_19 : memref<80x128xf32, #tpu.memory_space<hbm>>) target(%arg8 : memref<80x128xf32, #tpu.memory_space<vmem>>) target_semaphore(%arg11 : memref<!tpu.dma_semaphore, #tpu.memory_space<semaphore_mem>>)
    %scan3A = arith.constant 0 : i32
    %scan3A_20 = arith.constant 62 : i32
    %scan3A_21 = arith.addi %scan3A, %scan3A_20 : i32
    %scan3A_22 = arith.constant 1 : i32
    scf.for %scan3A_39 = %scan3A to %scan3A_21 step %scan3A_22  : i32 {
      %mul3A_40 = arith.constant 2 : i32
      %mul3A_41 = arith.muli %scan3A_39, %mul3A_40 : i32
      %add3A_42 = arith.constant 0 : i32
      %add3A_43 = arith.addi %add3A_42, %mul3A_41 : i32
      %mul3A_44 = arith.constant 80 : i32
      %mul3A_45 = arith.muli %add3A_43, %mul3A_44 : i32
      %add3A_46 = arith.addi %mul3A_6, %mul3A_45 : i32
      %dma_wait3A_47 = arith.constant 0 : i32
      %dma_wait3A_48 = tpu.memref_slice %arg2[%add3A_46, %dma_wait3A_47] : memref<320000x128xf32, #tpu.memory_space<hbm>> -> memref<80x128xf32, #tpu.memory_space<hbm>>
      %dma_wait3A_49 = arith.constant 0 : i32
      %dma_wait3A_50 = tpu.memref_slice %arg2[%add3A_46, %dma_wait3A_49] : memref<320000x128xf32, #tpu.memory_space<hbm>> -> memref<80x128xf32, #tpu.memory_space<hbm>>
      tpu.wait_dma2 semaphore(%arg10 : memref<!tpu.dma_semaphore, #tpu.memory_space<semaphore_mem>>) src(%dma_wait3A_50 : memref<80x128xf32, #tpu.memory_space<hbm>>) dst(%arg7 : memref<80x128xf32, #tpu.memory_space<vmem>>)
      "tpu.region"() ({
        %run_scoped3A_77 = tpu.sem_alloc : memref<!tpu.dma_semaphore, #tpu.memory_space<semaphore_mem>>
        %dma_start3A_78 = arith.constant 0 : i32
        %dma_start3A_79 = tpu.memref_slice %arg6[%add3A_43, %dma_start3A_78] : memref<125x80xi32, #tpu.memory_space<vmem>> -> memref<1x80xi32, #tpu.memory_space<vmem>>
        %dma_start3A_80 = tpu.memref_squeeze %dma_start3A_79 : memref<1x80xi32, #tpu.memory_space<vmem>> -> memref<80xi32, #tpu.memory_space<vmem>>
        %dma_start3A_81 = arith.constant 0 : i32
        %dma_start3A_82 = arith.constant 0 : i32
        %dma_start3A_83 = tpu.memref_slice %arg9[%dma_start3A_81, %dma_start3A_82] : memref<10000x128xf32, #tpu.memory_space<vmem_shared>> -> memref<10000x128xf32, #tpu.memory_space<vmem_shared>>
        tpu.enqueue_indirect_dma source(%arg7 : memref<80x128xf32, #tpu.memory_space<vmem>>) target(%dma_start3A_83 : memref<10000x128xf32, #tpu.memory_space<vmem_shared>>) offsets(%dma_start3A_80 : memref<80xi32, #tpu.memory_space<vmem>>) semaphore(%run_scoped3A_77 : memref<!tpu.dma_semaphore, #tpu.memory_space<semaphore_mem>>) {add = true}
        %dma_wait3A_84 = arith.constant 0 : i32
        %dma_wait3A_85 = tpu.memref_slice %arg6[%add3A_43, %dma_wait3A_84] : memref<125x80xi32, #tpu.memory_space<vmem>> -> memref<1x80xi32, #tpu.memory_space<vmem>>
        %dma_wait3A_86 = tpu.memref_squeeze %dma_wait3A_85 : memref<1x80xi32, #tpu.memory_space<vmem>> -> memref<80xi32, #tpu.memory_space<vmem>>
        %dma_wait3A_87 = arith.constant 0 : i32
        %dma_wait3A_88 = arith.constant 0 : i32
        %dma_wait3A_89 = tpu.memref_slice %arg9[%dma_wait3A_87, %dma_wait3A_88] : memref<10000x128xf32, #tpu.memory_space<vmem_shared>> -> memref<10000x128xf32, #tpu.memory_space<vmem_shared>>
        tpu.wait_indirect_dma semaphore(%run_scoped3A_77 : memref<!tpu.dma_semaphore, #tpu.memory_space<semaphore_mem>>) src(%arg7 : memref<80x128xf32, #tpu.memory_space<vmem>>) dst(%dma_wait3A_89 : memref<10000x128xf32, #tpu.memory_space<vmem_shared>>)
        tpu.yield
      }) : () -> ()
      %add3A_51 = arith.constant 2 : i32
      %add3A_52 = arith.addi %add3A_43, %add3A_51 : i32
      %mul3A_53 = arith.constant 80 : i32
      %mul3A_54 = arith.muli %add3A_52, %mul3A_53 : i32
      %add3A_55 = arith.addi %mul3A_6, %mul3A_54 : i32
      %dma_start3A_56 = arith.constant 0 : i32
      %dma_start3A_57 = tpu.memref_slice %arg2[%add3A_55, %dma_start3A_56] : memref<320000x128xf32, #tpu.memory_space<hbm>> -> memref<80x128xf32, #tpu.memory_space<hbm>>
      %dma_start3A_58 = arith.constant 0 : i32
      %dma_start3A_59 = tpu.memref_slice %arg2[%add3A_55, %dma_start3A_58] : memref<320000x128xf32, #tpu.memory_space<hbm>> -> memref<80x128xf32, #tpu.memory_space<hbm>>
      tpu.enqueue_dma source(%dma_start3A_59 : memref<80x128xf32, #tpu.memory_space<hbm>>) target(%arg7 : memref<80x128xf32, #tpu.memory_space<vmem>>) target_semaphore(%arg10 : memref<!tpu.dma_semaphore, #tpu.memory_space<semaphore_mem>>)
      %add3A_60 = arith.constant 1 : i32
      %add3A_61 = arith.addi %add3A_43, %add3A_60 : i32
      %mul3A_62 = arith.constant 80 : i32
      %mul3A_63 = arith.muli %add3A_61, %mul3A_62 : i32
      %add3A_64 = arith.addi %mul3A_6, %mul3A_63 : i32
      %dma_wait3A_65 = arith.constant 0 : i32
      %dma_wait3A_66 = tpu.memref_slice %arg2[%add3A_64, %dma_wait3A_65] : memref<320000x128xf32, #tpu.memory_space<hbm>> -> memref<80x128xf32, #tpu.memory_space<hbm>>
      %dma_wait3A_67 = arith.constant 0 : i32
      %dma_wait3A_68 = tpu.memref_slice %arg2[%add3A_64, %dma_wait3A_67] : memref<320000x128xf32, #tpu.memory_space<hbm>> -> memref<80x128xf32, #tpu.memory_space<hbm>>
      tpu.wait_dma2 semaphore(%arg11 : memref<!tpu.dma_semaphore, #tpu.memory_space<semaphore_mem>>) src(%dma_wait3A_68 : memref<80x128xf32, #tpu.memory_space<hbm>>) dst(%arg8 : memref<80x128xf32, #tpu.memory_space<vmem>>)
      %add3A_69 = arith.constant 1 : i32
      %add3A_70 = arith.addi %add3A_43, %add3A_69 : i32
      "tpu.region"() ({
        %run_scoped3A_77 = tpu.sem_alloc : memref<!tpu.dma_semaphore, #tpu.memory_space<semaphore_mem>>
        %dma_start3A_78 = arith.constant 0 : i32
        %dma_start3A_79 = tpu.memref_slice %arg6[%add3A_70, %dma_start3A_78] : memref<125x80xi32, #tpu.memory_space<vmem>> -> memref<1x80xi32, #tpu.memory_space<vmem>>
        %dma_start3A_80 = tpu.memref_squeeze %dma_start3A_79 : memref<1x80xi32, #tpu.memory_space<vmem>> -> memref<80xi32, #tpu.memory_space<vmem>>
        %dma_start3A_81 = arith.constant 0 : i32
        %dma_start3A_82 = arith.constant 0 : i32
        %dma_start3A_83 = tpu.memref_slice %arg9[%dma_start3A_81, %dma_start3A_82] : memref<10000x128xf32, #tpu.memory_space<vmem_shared>> -> memref<10000x128xf32, #tpu.memory_space<vmem_shared>>
        tpu.enqueue_indirect_dma source(%arg8 : memref<80x128xf32, #tpu.memory_space<vmem>>) target(%dma_start3A_83 : memref<10000x128xf32, #tpu.memory_space<vmem_shared>>) offsets(%dma_start3A_80 : memref<80xi32, #tpu.memory_space<vmem>>) semaphore(%run_scoped3A_77 : memref<!tpu.dma_semaphore, #tpu.memory_space<semaphore_mem>>) {add = true}
        %dma_wait3A_84 = arith.constant 0 : i32
        %dma_wait3A_85 = tpu.memref_slice %arg6[%add3A_70, %dma_wait3A_84] : memref<125x80xi32, #tpu.memory_space<vmem>> -> memref<1x80xi32, #tpu.memory_space<vmem>>
        %dma_wait3A_86 = tpu.memref_squeeze %dma_wait3A_85 : memref<1x80xi32, #tpu.memory_space<vmem>> -> memref<80xi32, #tpu.memory_space<vmem>>
        %dma_wait3A_87 = arith.constant 0 : i32
        %dma_wait3A_88 = arith.constant 0 : i32
        %dma_wait3A_89 = tpu.memref_slice %arg9[%dma_wait3A_87, %dma_wait3A_88] : memref<10000x128xf32, #tpu.memory_space<vmem_shared>> -> memref<10000x128xf32, #tpu.memory_space<vmem_shared>>
        tpu.wait_indirect_dma semaphore(%run_scoped3A_77 : memref<!tpu.dma_semaphore, #tpu.memory_space<semaphore_mem>>) src(%arg8 : memref<80x128xf32, #tpu.memory_space<vmem>>) dst(%dma_wait3A_89 : memref<10000x128xf32, #tpu.memory_space<vmem_shared>>)
        tpu.yield
      }) : () -> ()
      %add3A_71 = arith.constant 3 : i32
      %add3A_72 = arith.addi %add3A_43, %add3A_71 : i32
      %lt3A = arith.constant 125 : i32
      %lt3A_73 = arith.cmpi slt, %add3A_72, %lt3A : i32
      %convert_element_type3A_74 = arith.extui %lt3A_73 : i1 to i32
      %cond3A_75 = arith.constant 0 : i32
      %cond3A_76 = arith.cmpi ne, %convert_element_type3A_74, %cond3A_75 : i32
      scf.if %cond3A_76 {
        %add3A_77 = arith.constant 3 : i32
        %add3A_78 = arith.addi %add3A_43, %add3A_77 : i32
        %mul3A_79 = arith.constant 80 : i32
        %mul3A_80 = arith.muli %add3A_78, %mul3A_79 : i32
        %add3A_81 = arith.addi %mul3A_6, %mul3A_80 : i32
        %dma_start3A_82 = arith.constant 0 : i32
        %dma_start3A_83 = tpu.memref_slice %arg2[%add3A_81, %dma_start3A_82] : memref<320000x128xf32, #tpu.memory_space<hbm>> -> memref<80x128xf32, #tpu.memory_space<hbm>>
        %dma_start3A_84 = arith.constant 0 : i32
        %dma_start3A_85 = tpu.memref_slice %arg2[%add3A_81, %dma_start3A_84] : memref<320000x128xf32, #tpu.memory_space<hbm>> -> memref<80x128xf32, #tpu.memory_space<hbm>>
        tpu.enqueue_dma source(%dma_start3A_85 : memref<80x128xf32, #tpu.memory_space<hbm>>) target(%arg8 : memref<80x128xf32, #tpu.memory_space<vmem>>) target_semaphore(%arg11 : memref<!tpu.dma_semaphore, #tpu.memory_space<semaphore_mem>>)
      } else {
      }
    }
    %scan3A_23 = arith.constant 62 : i32
    %add3A_24 = arith.constant 9920 : i32
    %add3A_25 = arith.addi %mul3A_6, %add3A_24 : i32
    %dma_wait3A = arith.constant 0 : i32
    %dma_wait3A_26 = tpu.memref_slice %arg2[%add3A_25, %dma_wait3A] : memref<320000x128xf32, #tpu.memory_space<hbm>> -> memref<80x128xf32, #tpu.memory_space<hbm>>
    %dma_wait3A_27 = arith.constant 0 : i32
    %dma_wait3A_28 = tpu.memref_slice %arg2[%add3A_25, %dma_wait3A_27] : memref<320000x128xf32, #tpu.memory_space<hbm>> -> memref<80x128xf32, #tpu.memory_space<hbm>>
    tpu.wait_dma2 semaphore(%arg10 : memref<!tpu.dma_semaphore, #tpu.memory_space<semaphore_mem>>) src(%dma_wait3A_28 : memref<80x128xf32, #tpu.memory_space<hbm>>) dst(%arg7 : memref<80x128xf32, #tpu.memory_space<vmem>>)
    %run_scoped3A = arith.constant 124 : i32
    "tpu.region"() ({
      %run_scoped3A_39 = tpu.sem_alloc : memref<!tpu.dma_semaphore, #tpu.memory_space<semaphore_mem>>
      %dma_start3A_40 = arith.constant 0 : i32
      %dma_start3A_41 = tpu.memref_slice %arg6[%run_scoped3A, %dma_start3A_40] : memref<125x80xi32, #tpu.memory_space<vmem>> -> memref<1x80xi32, #tpu.memory_space<vmem>>
      %dma_start3A_42 = tpu.memref_squeeze %dma_start3A_41 : memref<1x80xi32, #tpu.memory_space<vmem>> -> memref<80xi32, #tpu.memory_space<vmem>>
      %dma_start3A_43 = arith.constant 0 : i32
      %dma_start3A_44 = arith.constant 0 : i32
      %dma_start3A_45 = tpu.memref_slice %arg9[%dma_start3A_43, %dma_start3A_44] : memref<10000x128xf32, #tpu.memory_space<vmem_shared>> -> memref<10000x128xf32, #tpu.memory_space<vmem_shared>>
      tpu.enqueue_indirect_dma source(%arg7 : memref<80x128xf32, #tpu.memory_space<vmem>>) target(%dma_start3A_45 : memref<10000x128xf32, #tpu.memory_space<vmem_shared>>) offsets(%dma_start3A_42 : memref<80xi32, #tpu.memory_space<vmem>>) semaphore(%run_scoped3A_39 : memref<!tpu.dma_semaphore, #tpu.memory_space<semaphore_mem>>) {add = true}
      %dma_wait3A_46 = arith.constant 0 : i32
      %dma_wait3A_47 = tpu.memref_slice %arg6[%run_scoped3A, %dma_wait3A_46] : memref<125x80xi32, #tpu.memory_space<vmem>> -> memref<1x80xi32, #tpu.memory_space<vmem>>
      %dma_wait3A_48 = tpu.memref_squeeze %dma_wait3A_47 : memref<1x80xi32, #tpu.memory_space<vmem>> -> memref<80xi32, #tpu.memory_space<vmem>>
      %dma_wait3A_49 = arith.constant 0 : i32
      %dma_wait3A_50 = arith.constant 0 : i32
      %dma_wait3A_51 = tpu.memref_slice %arg9[%dma_wait3A_49, %dma_wait3A_50] : memref<10000x128xf32, #tpu.memory_space<vmem_shared>> -> memref<10000x128xf32, #tpu.memory_space<vmem_shared>>
      tpu.wait_indirect_dma semaphore(%run_scoped3A_39 : memref<!tpu.dma_semaphore, #tpu.memory_space<semaphore_mem>>) src(%arg7 : memref<80x128xf32, #tpu.memory_space<vmem>>) dst(%dma_wait3A_51 : memref<10000x128xf32, #tpu.memory_space<vmem_shared>>)
      tpu.yield
    }) : () -> ()
    %barrier3A_29 = arith.constant 0 : index
    tpu.barrier barrier_id(%barrier3A_29)
    %mul3A_30 = arith.constant 624 : i32
    %mul3A_31 = arith.muli %arg1, %mul3A_30 : i32
    %mul3A_32 = arith.constant 624 : i32
    %mul3A_33 = arith.muli %arg1, %mul3A_32 : i32
    "tpu.region"() ({
      %run_scoped3A_39 = tpu.sem_alloc : memref<!tpu.dma_semaphore, #tpu.memory_space<semaphore_mem>>
      %dma_start3A_40 = arith.constant 0 : i32
      %dma_start3A_41 = tpu.memref_slice %arg5[%arg0, %mul3A_33, %dma_start3A_40] : memref<2x10000x128xf32, #tpu.memory_space<hbm>> -> memref<1x624x128xf32, #tpu.memory_space<hbm>>
      %dma_start3A_42 = tpu.memref_squeeze %dma_start3A_41 : memref<1x624x128xf32, #tpu.memory_space<hbm>> -> memref<624x128xf32, #tpu.memory_space<hbm>>
      %dma_start3A_43 = arith.constant 0 : i32
      %dma_start3A_44 = tpu.memref_slice %arg9[%mul3A_31, %dma_start3A_43] : memref<10000x128xf32, #tpu.memory_space<vmem_shared>> -> memref<624x128xf32, #tpu.memory_space<vmem_shared>>
      tpu.enqueue_dma source(%dma_start3A_44 : memref<624x128xf32, #tpu.memory_space<vmem_shared>>) target(%dma_start3A_42 : memref<624x128xf32, #tpu.memory_space<hbm>>) target_semaphore(%run_scoped3A_39 : memref<!tpu.dma_semaphore, #tpu.memory_space<semaphore_mem>>)
      %dma_wait3A_45 = arith.constant 0 : i32
      %dma_wait3A_46 = tpu.memref_slice %arg5[%arg0, %mul3A_33, %dma_wait3A_45] : memref<2x10000x128xf32, #tpu.memory_space<hbm>> -> memref<1x624x128xf32, #tpu.memory_space<hbm>>
      %dma_wait3A_47 = tpu.memref_squeeze %dma_wait3A_46 : memref<1x624x128xf32, #tpu.memory_space<hbm>> -> memref<624x128xf32, #tpu.memory_space<hbm>>
      %dma_wait3A_48 = arith.constant 0 : i32
      %dma_wait3A_49 = tpu.memref_slice %arg9[%mul3A_31, %dma_wait3A_48] : memref<10000x128xf32, #tpu.memory_space<vmem_shared>> -> memref<624x128xf32, #tpu.memory_space<vmem_shared>>
      tpu.wait_dma2 semaphore(%run_scoped3A_39 : memref<!tpu.dma_semaphore, #tpu.memory_space<semaphore_mem>>) src(%dma_wait3A_49 : memref<624x128xf32, #tpu.memory_space<vmem_shared>>) dst(%dma_wait3A_47 : memref<624x128xf32, #tpu.memory_space<hbm>>)
      tpu.yield
    }) : () -> ()
    %eq3A_34 = arith.constant 15 : i32
    %eq3A_35 = arith.cmpi eq, %arg1, %eq3A_34 : i32
    %convert_element_type3A_36 = arith.extui %eq3A_35 : i1 to i32
    %cond3A_37 = arith.constant 0 : i32
    %cond3A_38 = arith.cmpi ne, %convert_element_type3A_36, %cond3A_37 : i32
    scf.if %cond3A_38 {
      "tpu.region"() ({
        %run_scoped3A_39 = tpu.sem_alloc : memref<!tpu.dma_semaphore, #tpu.memory_space<semaphore_mem>>
        %dma_start3A_40 = arith.constant 9984 : i32
        %dma_start3A_41 = arith.constant 0 : i32
        %dma_start3A_42 = tpu.memref_slice %arg5[%arg0, %dma_start3A_40, %dma_start3A_41] : memref<2x10000x128xf32, #tpu.memory_space<hbm>> -> memref<1x16x128xf32, #tpu.memory_space<hbm>>
        %dma_start3A_43 = tpu.memref_squeeze %dma_start3A_42 : memref<1x16x128xf32, #tpu.memory_space<hbm>> -> memref<16x128xf32, #tpu.memory_space<hbm>>
        %dma_start3A_44 = arith.constant 9984 : i32
        %dma_start3A_45 = arith.constant 0 : i32
        %dma_start3A_46 = tpu.memref_slice %arg9[%dma_start3A_44, %dma_start3A_45] : memref<10000x128xf32, #tpu.memory_space<vmem_shared>> -> memref<16x128xf32, #tpu.memory_space<vmem_shared>>
        tpu.enqueue_dma source(%dma_start3A_46 : memref<16x128xf32, #tpu.memory_space<vmem_shared>>) target(%dma_start3A_43 : memref<16x128xf32, #tpu.memory_space<hbm>>) target_semaphore(%run_scoped3A_39 : memref<!tpu.dma_semaphore, #tpu.memory_space<semaphore_mem>>)
        %dma_wait3A_47 = arith.constant 9984 : i32
        %dma_wait3A_48 = arith.constant 0 : i32
        %dma_wait3A_49 = tpu.memref_slice %arg5[%arg0, %dma_wait3A_47, %dma_wait3A_48] : memref<2x10000x128xf32, #tpu.memory_space<hbm>> -> memref<1x16x128xf32, #tpu.memory_space<hbm>>
        %dma_wait3A_50 = tpu.memref_squeeze %dma_wait3A_49 : memref<1x16x128xf32, #tpu.memory_space<hbm>> -> memref<16x128xf32, #tpu.memory_space<hbm>>
        %dma_wait3A_51 = arith.constant 9984 : i32
        %dma_wait3A_52 = arith.constant 0 : i32
        %dma_wait3A_53 = tpu.memref_slice %arg9[%dma_wait3A_51, %dma_wait3A_52] : memref<10000x128xf32, #tpu.memory_space<vmem_shared>> -> memref<16x128xf32, #tpu.memory_space<vmem_shared>>
        tpu.wait_dma2 semaphore(%run_scoped3A_39 : memref<!tpu.dma_semaphore, #tpu.memory_space<semaphore_mem>>) src(%dma_wait3A_53 : memref<16x128xf32, #tpu.memory_space<vmem_shared>>) dst(%dma_wait3A_50 : memref<16x128xf32, #tpu.memory_space<hbm>>)
        tpu.yield
      }) : () -> ()
    } else {
    }
    return
  }
}

#map = affine_map<(d0, d1) -> (0, 0)>
#map1 = affine_map<(d0, d1) -> (0)>
module attributes {stable_mosaic.version = 14 : i64} {
  func.func @_sc_gather(%arg0: i32, %arg1: i32, %arg2: memref<10000x128xf32, #tpu.memory_space<hbm>>, %arg3: memref<320000xi32, #tpu.memory_space<hbm>>, %arg4: memref<320000x128xf32, #tpu.memory_space<hbm>>, %arg5: memref<10000xi32, #tpu.memory_space<vmem>>, %arg6: memref<400x128xf32, #tpu.memory_space<vmem>>, %arg7: memref<400x128xf32, #tpu.memory_space<vmem>>, %arg8: memref<!tpu.dma_semaphore, #tpu.memory_space<semaphore_mem>>, %arg9: memref<!tpu.dma_semaphore, #tpu.memory_space<semaphore_mem>>, %arg10: memref<!tpu.dma_semaphore, #tpu.memory_space<semaphore_mem>>, %arg11: memref<!tpu.dma_semaphore, #tpu.memory_space<semaphore_mem>>) attributes {dimension_semantics = [#tpu.dimension_semantics<core_parallel>, #tpu.dimension_semantics<subcore_parallel>], iteration_bounds = array<i64: 2, 16>, scalar_prefetch = 0 : i64, scratch_operands = 7 : i64, tpu.core_type = #tpu.core_type<sc_vector_subcore>, window_params = [{transform_indices = #map}, {transform_indices = #map1}, {transform_indices = #map}]} {
    %mul3A = arith.constant 2 : i32
    %mul3A_0 = arith.muli %arg1, %mul3A : i32
    %add3A = arith.addi %mul3A_0, %arg0 : i32
    %mul3A_1 = arith.constant 10000 : i32
    %mul3A_2 = arith.muli %add3A, %mul3A_1 : i32
    "tpu.region"() ({
      %run_scoped3A = tpu.sem_alloc : memref<!tpu.dma_semaphore, #tpu.memory_space<semaphore_mem>>
      %dma_start3A_137 = tpu.memref_slice %arg3[%mul3A_2] : memref<320000xi32, #tpu.memory_space<hbm>> -> memref<10000xi32, #tpu.memory_space<hbm>>
      %dma_start3A_138 = tpu.memref_slice %arg3[%mul3A_2] : memref<320000xi32, #tpu.memory_space<hbm>> -> memref<10000xi32, #tpu.memory_space<hbm>>
      tpu.enqueue_dma source(%dma_start3A_138 : memref<10000xi32, #tpu.memory_space<hbm>>) target(%arg5 : memref<10000xi32, #tpu.memory_space<vmem>>) target_semaphore(%run_scoped3A : memref<!tpu.dma_semaphore, #tpu.memory_space<semaphore_mem>>)
      %dma_wait3A_139 = tpu.memref_slice %arg3[%mul3A_2] : memref<320000xi32, #tpu.memory_space<hbm>> -> memref<10000xi32, #tpu.memory_space<hbm>>
      %dma_wait3A_140 = tpu.memref_slice %arg3[%mul3A_2] : memref<320000xi32, #tpu.memory_space<hbm>> -> memref<10000xi32, #tpu.memory_space<hbm>>
      tpu.wait_dma2 semaphore(%run_scoped3A : memref<!tpu.dma_semaphore, #tpu.memory_space<semaphore_mem>>) src(%dma_wait3A_140 : memref<10000xi32, #tpu.memory_space<hbm>>) dst(%arg5 : memref<10000xi32, #tpu.memory_space<vmem>>)
      tpu.yield
    }) : () -> ()
    %dma_start3A = arith.constant 0 : i32
    %dma_start3A_3 = arith.constant 0 : i32
    %dma_start3A_4 = tpu.memref_slice %arg6[%dma_start3A, %dma_start3A_3] : memref<400x128xf32, #tpu.memory_space<vmem>> -> memref<80x128xf32, #tpu.memory_space<vmem>>
    %dma_start3A_5 = arith.constant 0 : i32
    %dma_start3A_6 = tpu.memref_slice %arg5[%dma_start3A_5] : memref<10000xi32, #tpu.memory_space<vmem>> -> memref<80xi32, #tpu.memory_space<vmem>>
    %dma_start3A_7 = arith.constant 0 : i32
    %dma_start3A_8 = arith.constant 0 : i32
    %dma_start3A_9 = tpu.memref_slice %arg2[%dma_start3A_7, %dma_start3A_8] : memref<10000x128xf32, #tpu.memory_space<hbm>> -> memref<10000x128xf32, #tpu.memory_space<hbm>>
    tpu.enqueue_indirect_dma source(%dma_start3A_9 : memref<10000x128xf32, #tpu.memory_space<hbm>>) target(%dma_start3A_4 : memref<80x128xf32, #tpu.memory_space<vmem>>) offsets(%dma_start3A_6 : memref<80xi32, #tpu.memory_space<vmem>>) semaphore(%arg8 : memref<!tpu.dma_semaphore, #tpu.memory_space<semaphore_mem>>)
    %dma_start3A_10 = arith.constant 80 : i32
    %dma_start3A_11 = arith.constant 0 : i32
    %dma_start3A_12 = tpu.memref_slice %arg6[%dma_start3A_10, %dma_start3A_11] : memref<400x128xf32, #tpu.memory_space<vmem>> -> memref<80x128xf32, #tpu.memory_space<vmem>>
    %dma_start3A_13 = arith.constant 80 : i32
    %dma_start3A_14 = tpu.memref_slice %arg5[%dma_start3A_13] : memref<10000xi32, #tpu.memory_space<vmem>> -> memref<80xi32, #tpu.memory_space<vmem>>
    %dma_start3A_15 = arith.constant 0 : i32
    %dma_start3A_16 = arith.constant 0 : i32
    %dma_start3A_17 = tpu.memref_slice %arg2[%dma_start3A_15, %dma_start3A_16] : memref<10000x128xf32, #tpu.memory_space<hbm>> -> memref<10000x128xf32, #tpu.memory_space<hbm>>
    tpu.enqueue_indirect_dma source(%dma_start3A_17 : memref<10000x128xf32, #tpu.memory_space<hbm>>) target(%dma_start3A_12 : memref<80x128xf32, #tpu.memory_space<vmem>>) offsets(%dma_start3A_14 : memref<80xi32, #tpu.memory_space<vmem>>) semaphore(%arg8 : memref<!tpu.dma_semaphore, #tpu.memory_space<semaphore_mem>>)
    %dma_start3A_18 = arith.constant 160 : i32
    %dma_start3A_19 = arith.constant 0 : i32
    %dma_start3A_20 = tpu.memref_slice %arg6[%dma_start3A_18, %dma_start3A_19] : memref<400x128xf32, #tpu.memory_space<vmem>> -> memref<80x128xf32, #tpu.memory_space<vmem>>
    %dma_start3A_21 = arith.constant 160 : i32
    %dma_start3A_22 = tpu.memref_slice %arg5[%dma_start3A_21] : memref<10000xi32, #tpu.memory_space<vmem>> -> memref<80xi32, #tpu.memory_space<vmem>>
    %dma_start3A_23 = arith.constant 0 : i32
    %dma_start3A_24 = arith.constant 0 : i32
    %dma_start3A_25 = tpu.memref_slice %arg2[%dma_start3A_23, %dma_start3A_24] : memref<10000x128xf32, #tpu.memory_space<hbm>> -> memref<10000x128xf32, #tpu.memory_space<hbm>>
    tpu.enqueue_indirect_dma source(%dma_start3A_25 : memref<10000x128xf32, #tpu.memory_space<hbm>>) target(%dma_start3A_20 : memref<80x128xf32, #tpu.memory_space<vmem>>) offsets(%dma_start3A_22 : memref<80xi32, #tpu.memory_space<vmem>>) semaphore(%arg8 : memref<!tpu.dma_semaphore, #tpu.memory_space<semaphore_mem>>)
    %dma_start3A_26 = arith.constant 240 : i32
    %dma_start3A_27 = arith.constant 0 : i32
    %dma_start3A_28 = tpu.memref_slice %arg6[%dma_start3A_26, %dma_start3A_27] : memref<400x128xf32, #tpu.memory_space<vmem>> -> memref<80x128xf32, #tpu.memory_space<vmem>>
    %dma_start3A_29 = arith.constant 240 : i32
    %dma_start3A_30 = tpu.memref_slice %arg5[%dma_start3A_29] : memref<10000xi32, #tpu.memory_space<vmem>> -> memref<80xi32, #tpu.memory_space<vmem>>
    %dma_start3A_31 = arith.constant 0 : i32
    %dma_start3A_32 = arith.constant 0 : i32
    %dma_start3A_33 = tpu.memref_slice %arg2[%dma_start3A_31, %dma_start3A_32] : memref<10000x128xf32, #tpu.memory_space<hbm>> -> memref<10000x128xf32, #tpu.memory_space<hbm>>
    tpu.enqueue_indirect_dma source(%dma_start3A_33 : memref<10000x128xf32, #tpu.memory_space<hbm>>) target(%dma_start3A_28 : memref<80x128xf32, #tpu.memory_space<vmem>>) offsets(%dma_start3A_30 : memref<80xi32, #tpu.memory_space<vmem>>) semaphore(%arg8 : memref<!tpu.dma_semaphore, #tpu.memory_space<semaphore_mem>>)
    %dma_start3A_34 = arith.constant 320 : i32
    %dma_start3A_35 = arith.constant 0 : i32
    %dma_start3A_36 = tpu.memref_slice %arg6[%dma_start3A_34, %dma_start3A_35] : memref<400x128xf32, #tpu.memory_space<vmem>> -> memref<80x128xf32, #tpu.memory_space<vmem>>
    %dma_start3A_37 = arith.constant 320 : i32
    %dma_start3A_38 = tpu.memref_slice %arg5[%dma_start3A_37] : memref<10000xi32, #tpu.memory_space<vmem>> -> memref<80xi32, #tpu.memory_space<vmem>>
    %dma_start3A_39 = arith.constant 0 : i32
    %dma_start3A_40 = arith.constant 0 : i32
    %dma_start3A_41 = tpu.memref_slice %arg2[%dma_start3A_39, %dma_start3A_40] : memref<10000x128xf32, #tpu.memory_space<hbm>> -> memref<10000x128xf32, #tpu.memory_space<hbm>>
    tpu.enqueue_indirect_dma source(%dma_start3A_41 : memref<10000x128xf32, #tpu.memory_space<hbm>>) target(%dma_start3A_36 : memref<80x128xf32, #tpu.memory_space<vmem>>) offsets(%dma_start3A_38 : memref<80xi32, #tpu.memory_space<vmem>>) semaphore(%arg8 : memref<!tpu.dma_semaphore, #tpu.memory_space<semaphore_mem>>)
    %dma_start3A_42 = arith.constant 0 : i32
    %dma_start3A_43 = arith.constant 0 : i32
    %dma_start3A_44 = tpu.memref_slice %arg7[%dma_start3A_42, %dma_start3A_43] : memref<400x128xf32, #tpu.memory_space<vmem>> -> memref<80x128xf32, #tpu.memory_space<vmem>>
    %dma_start3A_45 = arith.constant 400 : i32
    %dma_start3A_46 = tpu.memref_slice %arg5[%dma_start3A_45] : memref<10000xi32, #tpu.memory_space<vmem>> -> memref<80xi32, #tpu.memory_space<vmem>>
    %dma_start3A_47 = arith.constant 0 : i32
    %dma_start3A_48 = arith.constant 0 : i32
    %dma_start3A_49 = tpu.memref_slice %arg2[%dma_start3A_47, %dma_start3A_48] : memref<10000x128xf32, #tpu.memory_space<hbm>> -> memref<10000x128xf32, #tpu.memory_space<hbm>>
    tpu.enqueue_indirect_dma source(%dma_start3A_49 : memref<10000x128xf32, #tpu.memory_space<hbm>>) target(%dma_start3A_44 : memref<80x128xf32, #tpu.memory_space<vmem>>) offsets(%dma_start3A_46 : memref<80xi32, #tpu.memory_space<vmem>>) semaphore(%arg9 : memref<!tpu.dma_semaphore, #tpu.memory_space<semaphore_mem>>)
    %dma_start3A_50 = arith.constant 80 : i32
    %dma_start3A_51 = arith.constant 0 : i32
    %dma_start3A_52 = tpu.memref_slice %arg7[%dma_start3A_50, %dma_start3A_51] : memref<400x128xf32, #tpu.memory_space<vmem>> -> memref<80x128xf32, #tpu.memory_space<vmem>>
    %dma_start3A_53 = arith.constant 480 : i32
    %dma_start3A_54 = tpu.memref_slice %arg5[%dma_start3A_53] : memref<10000xi32, #tpu.memory_space<vmem>> -> memref<80xi32, #tpu.memory_space<vmem>>
    %dma_start3A_55 = arith.constant 0 : i32
    %dma_start3A_56 = arith.constant 0 : i32
    %dma_start3A_57 = tpu.memref_slice %arg2[%dma_start3A_55, %dma_start3A_56] : memref<10000x128xf32, #tpu.memory_space<hbm>> -> memref<10000x128xf32, #tpu.memory_space<hbm>>
    tpu.enqueue_indirect_dma source(%dma_start3A_57 : memref<10000x128xf32, #tpu.memory_space<hbm>>) target(%dma_start3A_52 : memref<80x128xf32, #tpu.memory_space<vmem>>) offsets(%dma_start3A_54 : memref<80xi32, #tpu.memory_space<vmem>>) semaphore(%arg9 : memref<!tpu.dma_semaphore, #tpu.memory_space<semaphore_mem>>)
    %dma_start3A_58 = arith.constant 160 : i32
    %dma_start3A_59 = arith.constant 0 : i32
    %dma_start3A_60 = tpu.memref_slice %arg7[%dma_start3A_58, %dma_start3A_59] : memref<400x128xf32, #tpu.memory_space<vmem>> -> memref<80x128xf32, #tpu.memory_space<vmem>>
    %dma_start3A_61 = arith.constant 560 : i32
    %dma_start3A_62 = tpu.memref_slice %arg5[%dma_start3A_61] : memref<10000xi32, #tpu.memory_space<vmem>> -> memref<80xi32, #tpu.memory_space<vmem>>
    %dma_start3A_63 = arith.constant 0 : i32
    %dma_start3A_64 = arith.constant 0 : i32
    %dma_start3A_65 = tpu.memref_slice %arg2[%dma_start3A_63, %dma_start3A_64] : memref<10000x128xf32, #tpu.memory_space<hbm>> -> memref<10000x128xf32, #tpu.memory_space<hbm>>
    tpu.enqueue_indirect_dma source(%dma_start3A_65 : memref<10000x128xf32, #tpu.memory_space<hbm>>) target(%dma_start3A_60 : memref<80x128xf32, #tpu.memory_space<vmem>>) offsets(%dma_start3A_62 : memref<80xi32, #tpu.memory_space<vmem>>) semaphore(%arg9 : memref<!tpu.dma_semaphore, #tpu.memory_space<semaphore_mem>>)
    %dma_start3A_66 = arith.constant 240 : i32
    %dma_start3A_67 = arith.constant 0 : i32
    %dma_start3A_68 = tpu.memref_slice %arg7[%dma_start3A_66, %dma_start3A_67] : memref<400x128xf32, #tpu.memory_space<vmem>> -> memref<80x128xf32, #tpu.memory_space<vmem>>
    %dma_start3A_69 = arith.constant 640 : i32
    %dma_start3A_70 = tpu.memref_slice %arg5[%dma_start3A_69] : memref<10000xi32, #tpu.memory_space<vmem>> -> memref<80xi32, #tpu.memory_space<vmem>>
    %dma_start3A_71 = arith.constant 0 : i32
    %dma_start3A_72 = arith.constant 0 : i32
    %dma_start3A_73 = tpu.memref_slice %arg2[%dma_start3A_71, %dma_start3A_72] : memref<10000x128xf32, #tpu.memory_space<hbm>> -> memref<10000x128xf32, #tpu.memory_space<hbm>>
    tpu.enqueue_indirect_dma source(%dma_start3A_73 : memref<10000x128xf32, #tpu.memory_space<hbm>>) target(%dma_start3A_68 : memref<80x128xf32, #tpu.memory_space<vmem>>) offsets(%dma_start3A_70 : memref<80xi32, #tpu.memory_space<vmem>>) semaphore(%arg9 : memref<!tpu.dma_semaphore, #tpu.memory_space<semaphore_mem>>)
    %dma_start3A_74 = arith.constant 320 : i32
    %dma_start3A_75 = arith.constant 0 : i32
    %dma_start3A_76 = tpu.memref_slice %arg7[%dma_start3A_74, %dma_start3A_75] : memref<400x128xf32, #tpu.memory_space<vmem>> -> memref<80x128xf32, #tpu.memory_space<vmem>>
    %dma_start3A_77 = arith.constant 720 : i32
    %dma_start3A_78 = tpu.memref_slice %arg5[%dma_start3A_77] : memref<10000xi32, #tpu.memory_space<vmem>> -> memref<80xi32, #tpu.memory_space<vmem>>
    %dma_start3A_79 = arith.constant 0 : i32
    %dma_start3A_80 = arith.constant 0 : i32
    %dma_start3A_81 = tpu.memref_slice %arg2[%dma_start3A_79, %dma_start3A_80] : memref<10000x128xf32, #tpu.memory_space<hbm>> -> memref<10000x128xf32, #tpu.memory_space<hbm>>
    tpu.enqueue_indirect_dma source(%dma_start3A_81 : memref<10000x128xf32, #tpu.memory_space<hbm>>) target(%dma_start3A_76 : memref<80x128xf32, #tpu.memory_space<vmem>>) offsets(%dma_start3A_78 : memref<80xi32, #tpu.memory_space<vmem>>) semaphore(%arg9 : memref<!tpu.dma_semaphore, #tpu.memory_space<semaphore_mem>>)
    %scan3A = arith.constant 0 : i32
    %scan3A_82 = arith.constant 12 : i32
    %scan3A_83 = arith.addi %scan3A, %scan3A_82 : i32
    %scan3A_84 = arith.constant 1 : i32
    scf.for %scan3A_137 = %scan3A to %scan3A_83 step %scan3A_84  : i32 {
      %mul3A_138 = arith.constant 2 : i32
      %mul3A_139 = arith.muli %scan3A_137, %mul3A_138 : i32
      %add3A_140 = arith.constant 0 : i32
      %add3A_141 = arith.addi %add3A_140, %mul3A_139 : i32
      %mul3A_142 = arith.constant 400 : i32
      %mul3A_143 = arith.muli %add3A_141, %mul3A_142 : i32
      %add3A_144 = arith.constant 0 : i32
      %add3A_145 = arith.addi %mul3A_143, %add3A_144 : i32
      %dma_wait3A_146 = arith.constant 0 : i32
      %dma_wait3A_147 = arith.constant 0 : i32
      %dma_wait3A_148 = tpu.memref_slice %arg6[%dma_wait3A_146, %dma_wait3A_147] : memref<400x128xf32, #tpu.memory_space<vmem>> -> memref<80x128xf32, #tpu.memory_space<vmem>>
      %dma_wait3A_149 = tpu.memref_slice %arg5[%add3A_145] : memref<10000xi32, #tpu.memory_space<vmem>> -> memref<80xi32, #tpu.memory_space<vmem>>
      %dma_wait3A_150 = arith.constant 0 : i32
      %dma_wait3A_151 = arith.constant 0 : i32
      %dma_wait3A_152 = tpu.memref_slice %arg2[%dma_wait3A_150, %dma_wait3A_151] : memref<10000x128xf32, #tpu.memory_space<hbm>> -> memref<10000x128xf32, #tpu.memory_space<hbm>>
      tpu.wait_indirect_dma semaphore(%arg8 : memref<!tpu.dma_semaphore, #tpu.memory_space<semaphore_mem>>) src(%dma_wait3A_152 : memref<10000x128xf32, #tpu.memory_space<hbm>>) dst(%dma_wait3A_148 : memref<80x128xf32, #tpu.memory_space<vmem>>)
      %mul3A_153 = arith.constant 400 : i32
      %mul3A_154 = arith.muli %add3A_141, %mul3A_153 : i32
      %add3A_155 = arith.constant 80 : i32
      %add3A_156 = arith.addi %mul3A_154, %add3A_155 : i32
      %dma_wait3A_157 = arith.constant 80 : i32
      %dma_wait3A_158 = arith.constant 0 : i32
      %dma_wait3A_159 = tpu.memref_slice %arg6[%dma_wait3A_157, %dma_wait3A_158] : memref<400x128xf32, #tpu.memory_space<vmem>> -> memref<80x128xf32, #tpu.memory_space<vmem>>
      %dma_wait3A_160 = tpu.memref_slice %arg5[%add3A_156] : memref<10000xi32, #tpu.memory_space<vmem>> -> memref<80xi32, #tpu.memory_space<vmem>>
      %dma_wait3A_161 = arith.constant 0 : i32
      %dma_wait3A_162 = arith.constant 0 : i32
      %dma_wait3A_163 = tpu.memref_slice %arg2[%dma_wait3A_161, %dma_wait3A_162] : memref<10000x128xf32, #tpu.memory_space<hbm>> -> memref<10000x128xf32, #tpu.memory_space<hbm>>
      tpu.wait_indirect_dma semaphore(%arg8 : memref<!tpu.dma_semaphore, #tpu.memory_space<semaphore_mem>>) src(%dma_wait3A_163 : memref<10000x128xf32, #tpu.memory_space<hbm>>) dst(%dma_wait3A_159 : memref<80x128xf32, #tpu.memory_space<vmem>>)
      %mul3A_164 = arith.constant 400 : i32
      %mul3A_165 = arith.muli %add3A_141, %mul3A_164 : i32
      %add3A_166 = arith.constant 160 : i32
      %add3A_167 = arith.addi %mul3A_165, %add3A_166 : i32
      %dma_wait3A_168 = arith.constant 160 : i32
      %dma_wait3A_169 = arith.constant 0 : i32
      %dma_wait3A_170 = tpu.memref_slice %arg6[%dma_wait3A_168, %dma_wait3A_169] : memref<400x128xf32, #tpu.memory_space<vmem>> -> memref<80x128xf32, #tpu.memory_space<vmem>>
      %dma_wait3A_171 = tpu.memref_slice %arg5[%add3A_167] : memref<10000xi32, #tpu.memory_space<vmem>> -> memref<80xi32, #tpu.memory_space<vmem>>
      %dma_wait3A_172 = arith.constant 0 : i32
      %dma_wait3A_173 = arith.constant 0 : i32
      %dma_wait3A_174 = tpu.memref_slice %arg2[%dma_wait3A_172, %dma_wait3A_173] : memref<10000x128xf32, #tpu.memory_space<hbm>> -> memref<10000x128xf32, #tpu.memory_space<hbm>>
      tpu.wait_indirect_dma semaphore(%arg8 : memref<!tpu.dma_semaphore, #tpu.memory_space<semaphore_mem>>) src(%dma_wait3A_174 : memref<10000x128xf32, #tpu.memory_space<hbm>>) dst(%dma_wait3A_170 : memref<80x128xf32, #tpu.memory_space<vmem>>)
      %mul3A_175 = arith.constant 400 : i32
      %mul3A_176 = arith.muli %add3A_141, %mul3A_175 : i32
      %add3A_177 = arith.constant 240 : i32
      %add3A_178 = arith.addi %mul3A_176, %add3A_177 : i32
      %dma_wait3A_179 = arith.constant 240 : i32
      %dma_wait3A_180 = arith.constant 0 : i32
      %dma_wait3A_181 = tpu.memref_slice %arg6[%dma_wait3A_179, %dma_wait3A_180] : memref<400x128xf32, #tpu.memory_space<vmem>> -> memref<80x128xf32, #tpu.memory_space<vmem>>
      %dma_wait3A_182 = tpu.memref_slice %arg5[%add3A_178] : memref<10000xi32, #tpu.memory_space<vmem>> -> memref<80xi32, #tpu.memory_space<vmem>>
      %dma_wait3A_183 = arith.constant 0 : i32
      %dma_wait3A_184 = arith.constant 0 : i32
      %dma_wait3A_185 = tpu.memref_slice %arg2[%dma_wait3A_183, %dma_wait3A_184] : memref<10000x128xf32, #tpu.memory_space<hbm>> -> memref<10000x128xf32, #tpu.memory_space<hbm>>
      tpu.wait_indirect_dma semaphore(%arg8 : memref<!tpu.dma_semaphore, #tpu.memory_space<semaphore_mem>>) src(%dma_wait3A_185 : memref<10000x128xf32, #tpu.memory_space<hbm>>) dst(%dma_wait3A_181 : memref<80x128xf32, #tpu.memory_space<vmem>>)
      %mul3A_186 = arith.constant 400 : i32
      %mul3A_187 = arith.muli %add3A_141, %mul3A_186 : i32
      %add3A_188 = arith.constant 320 : i32
      %add3A_189 = arith.addi %mul3A_187, %add3A_188 : i32
      %dma_wait3A_190 = arith.constant 320 : i32
      %dma_wait3A_191 = arith.constant 0 : i32
      %dma_wait3A_192 = tpu.memref_slice %arg6[%dma_wait3A_190, %dma_wait3A_191] : memref<400x128xf32, #tpu.memory_space<vmem>> -> memref<80x128xf32, #tpu.memory_space<vmem>>
      %dma_wait3A_193 = tpu.memref_slice %arg5[%add3A_189] : memref<10000xi32, #tpu.memory_space<vmem>> -> memref<80xi32, #tpu.memory_space<vmem>>
      %dma_wait3A_194 = arith.constant 0 : i32
      %dma_wait3A_195 = arith.constant 0 : i32
      %dma_wait3A_196 = tpu.memref_slice %arg2[%dma_wait3A_194, %dma_wait3A_195] : memref<10000x128xf32, #tpu.memory_space<hbm>> -> memref<10000x128xf32, #tpu.memory_space<hbm>>
      tpu.wait_indirect_dma semaphore(%arg8 : memref<!tpu.dma_semaphore, #tpu.memory_space<semaphore_mem>>) src(%dma_wait3A_196 : memref<10000x128xf32, #tpu.memory_space<hbm>>) dst(%dma_wait3A_192 : memref<80x128xf32, #tpu.memory_space<vmem>>)
      %mul3A_197 = arith.constant 400 : i32
      %mul3A_198 = arith.muli %add3A_141, %mul3A_197 : i32
      %add3A_199 = arith.addi %mul3A_2, %mul3A_198 : i32
      %dma_start3A_200 = arith.constant 0 : i32
      %dma_start3A_201 = tpu.memref_slice %arg4[%add3A_199, %dma_start3A_200] : memref<320000x128xf32, #tpu.memory_space<hbm>> -> memref<400x128xf32, #tpu.memory_space<hbm>>
      %dma_start3A_202 = arith.constant 0 : i32
      %dma_start3A_203 = tpu.memref_slice %arg4[%add3A_199, %dma_start3A_202] : memref<320000x128xf32, #tpu.memory_space<hbm>> -> memref<400x128xf32, #tpu.memory_space<hbm>>
      tpu.enqueue_dma source(%arg6 : memref<400x128xf32, #tpu.memory_space<vmem>>) target(%dma_start3A_203 : memref<400x128xf32, #tpu.memory_space<hbm>>) target_semaphore(%arg10 : memref<!tpu.dma_semaphore, #tpu.memory_space<semaphore_mem>>)
      %mul3A_204 = arith.constant 400 : i32
      %mul3A_205 = arith.muli %add3A_141, %mul3A_204 : i32
      %add3A_206 = arith.addi %mul3A_2, %mul3A_205 : i32
      %dma_wait3A_207 = arith.constant 0 : i32
      %dma_wait3A_208 = tpu.memref_slice %arg4[%add3A_206, %dma_wait3A_207] : memref<320000x128xf32, #tpu.memory_space<hbm>> -> memref<400x128xf32, #tpu.memory_space<hbm>>
      %dma_wait3A_209 = arith.constant 0 : i32
      %dma_wait3A_210 = tpu.memref_slice %arg4[%add3A_206, %dma_wait3A_209] : memref<320000x128xf32, #tpu.memory_space<hbm>> -> memref<400x128xf32, #tpu.memory_space<hbm>>
      tpu.wait_dma2 semaphore(%arg10 : memref<!tpu.dma_semaphore, #tpu.memory_space<semaphore_mem>>) src(%arg6 : memref<400x128xf32, #tpu.memory_space<vmem>>) dst(%dma_wait3A_210 : memref<400x128xf32, #tpu.memory_space<hbm>>)
      %add3A_211 = arith.constant 2 : i32
      %add3A_212 = arith.addi %add3A_141, %add3A_211 : i32
      %mul3A_213 = arith.constant 400 : i32
      %mul3A_214 = arith.muli %add3A_212, %mul3A_213 : i32
      %add3A_215 = arith.constant 0 : i32
      %add3A_216 = arith.addi %mul3A_214, %add3A_215 : i32
      %dma_start3A_217 = arith.constant 0 : i32
      %dma_start3A_218 = arith.constant 0 : i32
      %dma_start3A_219 = tpu.memref_slice %arg6[%dma_start3A_217, %dma_start3A_218] : memref<400x128xf32, #tpu.memory_space<vmem>> -> memref<80x128xf32, #tpu.memory_space<vmem>>
      %dma_start3A_220 = tpu.memref_slice %arg5[%add3A_216] : memref<10000xi32, #tpu.memory_space<vmem>> -> memref<80xi32, #tpu.memory_space<vmem>>
      %dma_start3A_221 = arith.constant 0 : i32
      %dma_start3A_222 = arith.constant 0 : i32
      %dma_start3A_223 = tpu.memref_slice %arg2[%dma_start3A_221, %dma_start3A_222] : memref<10000x128xf32, #tpu.memory_space<hbm>> -> memref<10000x128xf32, #tpu.memory_space<hbm>>
      tpu.enqueue_indirect_dma source(%dma_start3A_223 : memref<10000x128xf32, #tpu.memory_space<hbm>>) target(%dma_start3A_219 : memref<80x128xf32, #tpu.memory_space<vmem>>) offsets(%dma_start3A_220 : memref<80xi32, #tpu.memory_space<vmem>>) semaphore(%arg8 : memref<!tpu.dma_semaphore, #tpu.memory_space<semaphore_mem>>)
      %mul3A_224 = arith.constant 400 : i32
      %mul3A_225 = arith.muli %add3A_212, %mul3A_224 : i32
      %add3A_226 = arith.constant 80 : i32
      %add3A_227 = arith.addi %mul3A_225, %add3A_226 : i32
      %dma_start3A_228 = arith.constant 80 : i32
      %dma_start3A_229 = arith.constant 0 : i32
      %dma_start3A_230 = tpu.memref_slice %arg6[%dma_start3A_228, %dma_start3A_229] : memref<400x128xf32, #tpu.memory_space<vmem>> -> memref<80x128xf32, #tpu.memory_space<vmem>>
      %dma_start3A_231 = tpu.memref_slice %arg5[%add3A_227] : memref<10000xi32, #tpu.memory_space<vmem>> -> memref<80xi32, #tpu.memory_space<vmem>>
      %dma_start3A_232 = arith.constant 0 : i32
      %dma_start3A_233 = arith.constant 0 : i32
      %dma_start3A_234 = tpu.memref_slice %arg2[%dma_start3A_232, %dma_start3A_233] : memref<10000x128xf32, #tpu.memory_space<hbm>> -> memref<10000x128xf32, #tpu.memory_space<hbm>>
      tpu.enqueue_indirect_dma source(%dma_start3A_234 : memref<10000x128xf32, #tpu.memory_space<hbm>>) target(%dma_start3A_230 : memref<80x128xf32, #tpu.memory_space<vmem>>) offsets(%dma_start3A_231 : memref<80xi32, #tpu.memory_space<vmem>>) semaphore(%arg8 : memref<!tpu.dma_semaphore, #tpu.memory_space<semaphore_mem>>)
      %mul3A_235 = arith.constant 400 : i32
      %mul3A_236 = arith.muli %add3A_212, %mul3A_235 : i32
      %add3A_237 = arith.constant 160 : i32
      %add3A_238 = arith.addi %mul3A_236, %add3A_237 : i32
      %dma_start3A_239 = arith.constant 160 : i32
      %dma_start3A_240 = arith.constant 0 : i32
      %dma_start3A_241 = tpu.memref_slice %arg6[%dma_start3A_239, %dma_start3A_240] : memref<400x128xf32, #tpu.memory_space<vmem>> -> memref<80x128xf32, #tpu.memory_space<vmem>>
      %dma_start3A_242 = tpu.memref_slice %arg5[%add3A_238] : memref<10000xi32, #tpu.memory_space<vmem>> -> memref<80xi32, #tpu.memory_space<vmem>>
      %dma_start3A_243 = arith.constant 0 : i32
      %dma_start3A_244 = arith.constant 0 : i32
      %dma_start3A_245 = tpu.memref_slice %arg2[%dma_start3A_243, %dma_start3A_244] : memref<10000x128xf32, #tpu.memory_space<hbm>> -> memref<10000x128xf32, #tpu.memory_space<hbm>>
      tpu.enqueue_indirect_dma source(%dma_start3A_245 : memref<10000x128xf32, #tpu.memory_space<hbm>>) target(%dma_start3A_241 : memref<80x128xf32, #tpu.memory_space<vmem>>) offsets(%dma_start3A_242 : memref<80xi32, #tpu.memory_space<vmem>>) semaphore(%arg8 : memref<!tpu.dma_semaphore, #tpu.memory_space<semaphore_mem>>)
      %mul3A_246 = arith.constant 400 : i32
      %mul3A_247 = arith.muli %add3A_212, %mul3A_246 : i32
      %add3A_248 = arith.constant 240 : i32
      %add3A_249 = arith.addi %mul3A_247, %add3A_248 : i32
      %dma_start3A_250 = arith.constant 240 : i32
      %dma_start3A_251 = arith.constant 0 : i32
      %dma_start3A_252 = tpu.memref_slice %arg6[%dma_start3A_250, %dma_start3A_251] : memref<400x128xf32, #tpu.memory_space<vmem>> -> memref<80x128xf32, #tpu.memory_space<vmem>>
      %dma_start3A_253 = tpu.memref_slice %arg5[%add3A_249] : memref<10000xi32, #tpu.memory_space<vmem>> -> memref<80xi32, #tpu.memory_space<vmem>>
      %dma_start3A_254 = arith.constant 0 : i32
      %dma_start3A_255 = arith.constant 0 : i32
      %dma_start3A_256 = tpu.memref_slice %arg2[%dma_start3A_254, %dma_start3A_255] : memref<10000x128xf32, #tpu.memory_space<hbm>> -> memref<10000x128xf32, #tpu.memory_space<hbm>>
      tpu.enqueue_indirect_dma source(%dma_start3A_256 : memref<10000x128xf32, #tpu.memory_space<hbm>>) target(%dma_start3A_252 : memref<80x128xf32, #tpu.memory_space<vmem>>) offsets(%dma_start3A_253 : memref<80xi32, #tpu.memory_space<vmem>>) semaphore(%arg8 : memref<!tpu.dma_semaphore, #tpu.memory_space<semaphore_mem>>)
      %mul3A_257 = arith.constant 400 : i32
      %mul3A_258 = arith.muli %add3A_212, %mul3A_257 : i32
      %add3A_259 = arith.constant 320 : i32
      %add3A_260 = arith.addi %mul3A_258, %add3A_259 : i32
      %dma_start3A_261 = arith.constant 320 : i32
      %dma_start3A_262 = arith.constant 0 : i32
      %dma_start3A_263 = tpu.memref_slice %arg6[%dma_start3A_261, %dma_start3A_262] : memref<400x128xf32, #tpu.memory_space<vmem>> -> memref<80x128xf32, #tpu.memory_space<vmem>>
      %dma_start3A_264 = tpu.memref_slice %arg5[%add3A_260] : memref<10000xi32, #tpu.memory_space<vmem>> -> memref<80xi32, #tpu.memory_space<vmem>>
      %dma_start3A_265 = arith.constant 0 : i32
      %dma_start3A_266 = arith.constant 0 : i32
      %dma_start3A_267 = tpu.memref_slice %arg2[%dma_start3A_265, %dma_start3A_266] : memref<10000x128xf32, #tpu.memory_space<hbm>> -> memref<10000x128xf32, #tpu.memory_space<hbm>>
      tpu.enqueue_indirect_dma source(%dma_start3A_267 : memref<10000x128xf32, #tpu.memory_space<hbm>>) target(%dma_start3A_263 : memref<80x128xf32, #tpu.memory_space<vmem>>) offsets(%dma_start3A_264 : memref<80xi32, #tpu.memory_space<vmem>>) semaphore(%arg8 : memref<!tpu.dma_semaphore, #tpu.memory_space<semaphore_mem>>)
      %add3A_268 = arith.constant 1 : i32
      %add3A_269 = arith.addi %add3A_141, %add3A_268 : i32
      %mul3A_270 = arith.constant 400 : i32
      %mul3A_271 = arith.muli %add3A_269, %mul3A_270 : i32
      %add3A_272 = arith.constant 0 : i32
      %add3A_273 = arith.addi %mul3A_271, %add3A_272 : i32
      %dma_wait3A_274 = arith.constant 0 : i32
      %dma_wait3A_275 = arith.constant 0 : i32
      %dma_wait3A_276 = tpu.memref_slice %arg7[%dma_wait3A_274, %dma_wait3A_275] : memref<400x128xf32, #tpu.memory_space<vmem>> -> memref<80x128xf32, #tpu.memory_space<vmem>>
      %dma_wait3A_277 = tpu.memref_slice %arg5[%add3A_273] : memref<10000xi32, #tpu.memory_space<vmem>> -> memref<80xi32, #tpu.memory_space<vmem>>
      %dma_wait3A_278 = arith.constant 0 : i32
      %dma_wait3A_279 = arith.constant 0 : i32
      %dma_wait3A_280 = tpu.memref_slice %arg2[%dma_wait3A_278, %dma_wait3A_279] : memref<10000x128xf32, #tpu.memory_space<hbm>> -> memref<10000x128xf32, #tpu.memory_space<hbm>>
      tpu.wait_indirect_dma semaphore(%arg9 : memref<!tpu.dma_semaphore, #tpu.memory_space<semaphore_mem>>) src(%dma_wait3A_280 : memref<10000x128xf32, #tpu.memory_space<hbm>>) dst(%dma_wait3A_276 : memref<80x128xf32, #tpu.memory_space<vmem>>)
      %mul3A_281 = arith.constant 400 : i32
      %mul3A_282 = arith.muli %add3A_269, %mul3A_281 : i32
      %add3A_283 = arith.constant 80 : i32
      %add3A_284 = arith.addi %mul3A_282, %add3A_283 : i32
      %dma_wait3A_285 = arith.constant 80 : i32
      %dma_wait3A_286 = arith.constant 0 : i32
      %dma_wait3A_287 = tpu.memref_slice %arg7[%dma_wait3A_285, %dma_wait3A_286] : memref<400x128xf32, #tpu.memory_space<vmem>> -> memref<80x128xf32, #tpu.memory_space<vmem>>
      %dma_wait3A_288 = tpu.memref_slice %arg5[%add3A_284] : memref<10000xi32, #tpu.memory_space<vmem>> -> memref<80xi32, #tpu.memory_space<vmem>>
      %dma_wait3A_289 = arith.constant 0 : i32
      %dma_wait3A_290 = arith.constant 0 : i32
      %dma_wait3A_291 = tpu.memref_slice %arg2[%dma_wait3A_289, %dma_wait3A_290] : memref<10000x128xf32, #tpu.memory_space<hbm>> -> memref<10000x128xf32, #tpu.memory_space<hbm>>
      tpu.wait_indirect_dma semaphore(%arg9 : memref<!tpu.dma_semaphore, #tpu.memory_space<semaphore_mem>>) src(%dma_wait3A_291 : memref<10000x128xf32, #tpu.memory_space<hbm>>) dst(%dma_wait3A_287 : memref<80x128xf32, #tpu.memory_space<vmem>>)
      %mul3A_292 = arith.constant 400 : i32
      %mul3A_293 = arith.muli %add3A_269, %mul3A_292 : i32
      %add3A_294 = arith.constant 160 : i32
      %add3A_295 = arith.addi %mul3A_293, %add3A_294 : i32
      %dma_wait3A_296 = arith.constant 160 : i32
      %dma_wait3A_297 = arith.constant 0 : i32
      %dma_wait3A_298 = tpu.memref_slice %arg7[%dma_wait3A_296, %dma_wait3A_297] : memref<400x128xf32, #tpu.memory_space<vmem>> -> memref<80x128xf32, #tpu.memory_space<vmem>>
      %dma_wait3A_299 = tpu.memref_slice %arg5[%add3A_295] : memref<10000xi32, #tpu.memory_space<vmem>> -> memref<80xi32, #tpu.memory_space<vmem>>
      %dma_wait3A_300 = arith.constant 0 : i32
      %dma_wait3A_301 = arith.constant 0 : i32
      %dma_wait3A_302 = tpu.memref_slice %arg2[%dma_wait3A_300, %dma_wait3A_301] : memref<10000x128xf32, #tpu.memory_space<hbm>> -> memref<10000x128xf32, #tpu.memory_space<hbm>>
      tpu.wait_indirect_dma semaphore(%arg9 : memref<!tpu.dma_semaphore, #tpu.memory_space<semaphore_mem>>) src(%dma_wait3A_302 : memref<10000x128xf32, #tpu.memory_space<hbm>>) dst(%dma_wait3A_298 : memref<80x128xf32, #tpu.memory_space<vmem>>)
      %mul3A_303 = arith.constant 400 : i32
      %mul3A_304 = arith.muli %add3A_269, %mul3A_303 : i32
      %add3A_305 = arith.constant 240 : i32
      %add3A_306 = arith.addi %mul3A_304, %add3A_305 : i32
      %dma_wait3A_307 = arith.constant 240 : i32
      %dma_wait3A_308 = arith.constant 0 : i32
      %dma_wait3A_309 = tpu.memref_slice %arg7[%dma_wait3A_307, %dma_wait3A_308] : memref<400x128xf32, #tpu.memory_space<vmem>> -> memref<80x128xf32, #tpu.memory_space<vmem>>
      %dma_wait3A_310 = tpu.memref_slice %arg5[%add3A_306] : memref<10000xi32, #tpu.memory_space<vmem>> -> memref<80xi32, #tpu.memory_space<vmem>>
      %dma_wait3A_311 = arith.constant 0 : i32
      %dma_wait3A_312 = arith.constant 0 : i32
      %dma_wait3A_313 = tpu.memref_slice %arg2[%dma_wait3A_311, %dma_wait3A_312] : memref<10000x128xf32, #tpu.memory_space<hbm>> -> memref<10000x128xf32, #tpu.memory_space<hbm>>
      tpu.wait_indirect_dma semaphore(%arg9 : memref<!tpu.dma_semaphore, #tpu.memory_space<semaphore_mem>>) src(%dma_wait3A_313 : memref<10000x128xf32, #tpu.memory_space<hbm>>) dst(%dma_wait3A_309 : memref<80x128xf32, #tpu.memory_space<vmem>>)
      %mul3A_314 = arith.constant 400 : i32
      %mul3A_315 = arith.muli %add3A_269, %mul3A_314 : i32
      %add3A_316 = arith.constant 320 : i32
      %add3A_317 = arith.addi %mul3A_315, %add3A_316 : i32
      %dma_wait3A_318 = arith.constant 320 : i32
      %dma_wait3A_319 = arith.constant 0 : i32
      %dma_wait3A_320 = tpu.memref_slice %arg7[%dma_wait3A_318, %dma_wait3A_319] : memref<400x128xf32, #tpu.memory_space<vmem>> -> memref<80x128xf32, #tpu.memory_space<vmem>>
      %dma_wait3A_321 = tpu.memref_slice %arg5[%add3A_317] : memref<10000xi32, #tpu.memory_space<vmem>> -> memref<80xi32, #tpu.memory_space<vmem>>
      %dma_wait3A_322 = arith.constant 0 : i32
      %dma_wait3A_323 = arith.constant 0 : i32
      %dma_wait3A_324 = tpu.memref_slice %arg2[%dma_wait3A_322, %dma_wait3A_323] : memref<10000x128xf32, #tpu.memory_space<hbm>> -> memref<10000x128xf32, #tpu.memory_space<hbm>>
      tpu.wait_indirect_dma semaphore(%arg9 : memref<!tpu.dma_semaphore, #tpu.memory_space<semaphore_mem>>) src(%dma_wait3A_324 : memref<10000x128xf32, #tpu.memory_space<hbm>>) dst(%dma_wait3A_320 : memref<80x128xf32, #tpu.memory_space<vmem>>)
      %add3A_325 = arith.constant 1 : i32
      %add3A_326 = arith.addi %add3A_141, %add3A_325 : i32
      %mul3A_327 = arith.constant 400 : i32
      %mul3A_328 = arith.muli %add3A_326, %mul3A_327 : i32
      %add3A_329 = arith.addi %mul3A_2, %mul3A_328 : i32
      %dma_start3A_330 = arith.constant 0 : i32
      %dma_start3A_331 = tpu.memref_slice %arg4[%add3A_329, %dma_start3A_330] : memref<320000x128xf32, #tpu.memory_space<hbm>> -> memref<400x128xf32, #tpu.memory_space<hbm>>
      %dma_start3A_332 = arith.constant 0 : i32
      %dma_start3A_333 = tpu.memref_slice %arg4[%add3A_329, %dma_start3A_332] : memref<320000x128xf32, #tpu.memory_space<hbm>> -> memref<400x128xf32, #tpu.memory_space<hbm>>
      tpu.enqueue_dma source(%arg7 : memref<400x128xf32, #tpu.memory_space<vmem>>) target(%dma_start3A_333 : memref<400x128xf32, #tpu.memory_space<hbm>>) target_semaphore(%arg11 : memref<!tpu.dma_semaphore, #tpu.memory_space<semaphore_mem>>)
      %add3A_334 = arith.constant 1 : i32
      %add3A_335 = arith.addi %add3A_141, %add3A_334 : i32
      %mul3A_336 = arith.constant 400 : i32
      %mul3A_337 = arith.muli %add3A_335, %mul3A_336 : i32
      %add3A_338 = arith.addi %mul3A_2, %mul3A_337 : i32
      %dma_wait3A_339 = arith.constant 0 : i32
      %dma_wait3A_340 = tpu.memref_slice %arg4[%add3A_338, %dma_wait3A_339] : memref<320000x128xf32, #tpu.memory_space<hbm>> -> memref<400x128xf32, #tpu.memory_space<hbm>>
      %dma_wait3A_341 = arith.constant 0 : i32
      %dma_wait3A_342 = tpu.memref_slice %arg4[%add3A_338, %dma_wait3A_341] : memref<320000x128xf32, #tpu.memory_space<hbm>> -> memref<400x128xf32, #tpu.memory_space<hbm>>
      tpu.wait_dma2 semaphore(%arg11 : memref<!tpu.dma_semaphore, #tpu.memory_space<semaphore_mem>>) src(%arg7 : memref<400x128xf32, #tpu.memory_space<vmem>>) dst(%dma_wait3A_342 : memref<400x128xf32, #tpu.memory_space<hbm>>)
      %add3A_343 = arith.constant 3 : i32
      %add3A_344 = arith.addi %add3A_141, %add3A_343 : i32
      %lt3A = arith.constant 25 : i32
      %lt3A_345 = arith.cmpi slt, %add3A_344, %lt3A : i32
      %convert_element_type3A = arith.extui %lt3A_345 : i1 to i32
      %cond3A = arith.constant 0 : i32
      %cond3A_346 = arith.cmpi ne, %convert_element_type3A, %cond3A : i32
      scf.if %cond3A_346 {
        %add3A_347 = arith.constant 3 : i32
        %add3A_348 = arith.addi %add3A_141, %add3A_347 : i32
        %mul3A_349 = arith.constant 400 : i32
        %mul3A_350 = arith.muli %add3A_348, %mul3A_349 : i32
        %add3A_351 = arith.constant 0 : i32
        %add3A_352 = arith.addi %mul3A_350, %add3A_351 : i32
        %dma_start3A_353 = arith.constant 0 : i32
        %dma_start3A_354 = arith.constant 0 : i32
        %dma_start3A_355 = tpu.memref_slice %arg7[%dma_start3A_353, %dma_start3A_354] : memref<400x128xf32, #tpu.memory_space<vmem>> -> memref<80x128xf32, #tpu.memory_space<vmem>>
        %dma_start3A_356 = tpu.memref_slice %arg5[%add3A_352] : memref<10000xi32, #tpu.memory_space<vmem>> -> memref<80xi32, #tpu.memory_space<vmem>>
        %dma_start3A_357 = arith.constant 0 : i32
        %dma_start3A_358 = arith.constant 0 : i32
        %dma_start3A_359 = tpu.memref_slice %arg2[%dma_start3A_357, %dma_start3A_358] : memref<10000x128xf32, #tpu.memory_space<hbm>> -> memref<10000x128xf32, #tpu.memory_space<hbm>>
        tpu.enqueue_indirect_dma source(%dma_start3A_359 : memref<10000x128xf32, #tpu.memory_space<hbm>>) target(%dma_start3A_355 : memref<80x128xf32, #tpu.memory_space<vmem>>) offsets(%dma_start3A_356 : memref<80xi32, #tpu.memory_space<vmem>>) semaphore(%arg9 : memref<!tpu.dma_semaphore, #tpu.memory_space<semaphore_mem>>)
        %mul3A_360 = arith.constant 400 : i32
        %mul3A_361 = arith.muli %add3A_348, %mul3A_360 : i32
        %add3A_362 = arith.constant 80 : i32
        %add3A_363 = arith.addi %mul3A_361, %add3A_362 : i32
        %dma_start3A_364 = arith.constant 80 : i32
        %dma_start3A_365 = arith.constant 0 : i32
        %dma_start3A_366 = tpu.memref_slice %arg7[%dma_start3A_364, %dma_start3A_365] : memref<400x128xf32, #tpu.memory_space<vmem>> -> memref<80x128xf32, #tpu.memory_space<vmem>>
        %dma_start3A_367 = tpu.memref_slice %arg5[%add3A_363] : memref<10000xi32, #tpu.memory_space<vmem>> -> memref<80xi32, #tpu.memory_space<vmem>>
        %dma_start3A_368 = arith.constant 0 : i32
        %dma_start3A_369 = arith.constant 0 : i32
        %dma_start3A_370 = tpu.memref_slice %arg2[%dma_start3A_368, %dma_start3A_369] : memref<10000x128xf32, #tpu.memory_space<hbm>> -> memref<10000x128xf32, #tpu.memory_space<hbm>>
        tpu.enqueue_indirect_dma source(%dma_start3A_370 : memref<10000x128xf32, #tpu.memory_space<hbm>>) target(%dma_start3A_366 : memref<80x128xf32, #tpu.memory_space<vmem>>) offsets(%dma_start3A_367 : memref<80xi32, #tpu.memory_space<vmem>>) semaphore(%arg9 : memref<!tpu.dma_semaphore, #tpu.memory_space<semaphore_mem>>)
        %mul3A_371 = arith.constant 400 : i32
        %mul3A_372 = arith.muli %add3A_348, %mul3A_371 : i32
        %add3A_373 = arith.constant 160 : i32
        %add3A_374 = arith.addi %mul3A_372, %add3A_373 : i32
        %dma_start3A_375 = arith.constant 160 : i32
        %dma_start3A_376 = arith.constant 0 : i32
        %dma_start3A_377 = tpu.memref_slice %arg7[%dma_start3A_375, %dma_start3A_376] : memref<400x128xf32, #tpu.memory_space<vmem>> -> memref<80x128xf32, #tpu.memory_space<vmem>>
        %dma_start3A_378 = tpu.memref_slice %arg5[%add3A_374] : memref<10000xi32, #tpu.memory_space<vmem>> -> memref<80xi32, #tpu.memory_space<vmem>>
        %dma_start3A_379 = arith.constant 0 : i32
        %dma_start3A_380 = arith.constant 0 : i32
        %dma_start3A_381 = tpu.memref_slice %arg2[%dma_start3A_379, %dma_start3A_380] : memref<10000x128xf32, #tpu.memory_space<hbm>> -> memref<10000x128xf32, #tpu.memory_space<hbm>>
        tpu.enqueue_indirect_dma source(%dma_start3A_381 : memref<10000x128xf32, #tpu.memory_space<hbm>>) target(%dma_start3A_377 : memref<80x128xf32, #tpu.memory_space<vmem>>) offsets(%dma_start3A_378 : memref<80xi32, #tpu.memory_space<vmem>>) semaphore(%arg9 : memref<!tpu.dma_semaphore, #tpu.memory_space<semaphore_mem>>)
        %mul3A_382 = arith.constant 400 : i32
        %mul3A_383 = arith.muli %add3A_348, %mul3A_382 : i32
        %add3A_384 = arith.constant 240 : i32
        %add3A_385 = arith.addi %mul3A_383, %add3A_384 : i32
        %dma_start3A_386 = arith.constant 240 : i32
        %dma_start3A_387 = arith.constant 0 : i32
        %dma_start3A_388 = tpu.memref_slice %arg7[%dma_start3A_386, %dma_start3A_387] : memref<400x128xf32, #tpu.memory_space<vmem>> -> memref<80x128xf32, #tpu.memory_space<vmem>>
        %dma_start3A_389 = tpu.memref_slice %arg5[%add3A_385] : memref<10000xi32, #tpu.memory_space<vmem>> -> memref<80xi32, #tpu.memory_space<vmem>>
        %dma_start3A_390 = arith.constant 0 : i32
        %dma_start3A_391 = arith.constant 0 : i32
        %dma_start3A_392 = tpu.memref_slice %arg2[%dma_start3A_390, %dma_start3A_391] : memref<10000x128xf32, #tpu.memory_space<hbm>> -> memref<10000x128xf32, #tpu.memory_space<hbm>>
        tpu.enqueue_indirect_dma source(%dma_start3A_392 : memref<10000x128xf32, #tpu.memory_space<hbm>>) target(%dma_start3A_388 : memref<80x128xf32, #tpu.memory_space<vmem>>) offsets(%dma_start3A_389 : memref<80xi32, #tpu.memory_space<vmem>>) semaphore(%arg9 : memref<!tpu.dma_semaphore, #tpu.memory_space<semaphore_mem>>)
        %mul3A_393 = arith.constant 400 : i32
        %mul3A_394 = arith.muli %add3A_348, %mul3A_393 : i32
        %add3A_395 = arith.constant 320 : i32
        %add3A_396 = arith.addi %mul3A_394, %add3A_395 : i32
        %dma_start3A_397 = arith.constant 320 : i32
        %dma_start3A_398 = arith.constant 0 : i32
        %dma_start3A_399 = tpu.memref_slice %arg7[%dma_start3A_397, %dma_start3A_398] : memref<400x128xf32, #tpu.memory_space<vmem>> -> memref<80x128xf32, #tpu.memory_space<vmem>>
        %dma_start3A_400 = tpu.memref_slice %arg5[%add3A_396] : memref<10000xi32, #tpu.memory_space<vmem>> -> memref<80xi32, #tpu.memory_space<vmem>>
        %dma_start3A_401 = arith.constant 0 : i32
        %dma_start3A_402 = arith.constant 0 : i32
        %dma_start3A_403 = tpu.memref_slice %arg2[%dma_start3A_401, %dma_start3A_402] : memref<10000x128xf32, #tpu.memory_space<hbm>> -> memref<10000x128xf32, #tpu.memory_space<hbm>>
        tpu.enqueue_indirect_dma source(%dma_start3A_403 : memref<10000x128xf32, #tpu.memory_space<hbm>>) target(%dma_start3A_399 : memref<80x128xf32, #tpu.memory_space<vmem>>) offsets(%dma_start3A_400 : memref<80xi32, #tpu.memory_space<vmem>>) semaphore(%arg9 : memref<!tpu.dma_semaphore, #tpu.memory_space<semaphore_mem>>)
      } else {
      }
    }
    %scan3A_85 = arith.constant 12 : i32
    %dma_wait3A = arith.constant 0 : i32
    %dma_wait3A_86 = arith.constant 0 : i32
    %dma_wait3A_87 = tpu.memref_slice %arg6[%dma_wait3A, %dma_wait3A_86] : memref<400x128xf32, #tpu.memory_space<vmem>> -> memref<80x128xf32, #tpu.memory_space<vmem>>
    %dma_wait3A_88 = arith.constant 9600 : i32
    %dma_wait3A_89 = tpu.memref_slice %arg5[%dma_wait3A_88] : memref<10000xi32, #tpu.memory_space<vmem>> -> memref<80xi32, #tpu.memory_space<vmem>>
    %dma_wait3A_90 = arith.constant 0 : i32
    %dma_wait3A_91 = arith.constant 0 : i32
    %dma_wait3A_92 = tpu.memref_slice %arg2[%dma_wait3A_90, %dma_wait3A_91] : memref<10000x128xf32, #tpu.memory_space<hbm>> -> memref<10000x128xf32, #tpu.memory_space<hbm>>
    tpu.wait_indirect_dma semaphore(%arg8 : memref<!tpu.dma_semaphore, #tpu.memory_space<semaphore_mem>>) src(%dma_wait3A_92 : memref<10000x128xf32, #tpu.memory_space<hbm>>) dst(%dma_wait3A_87 : memref<80x128xf32, #tpu.memory_space<vmem>>)
    %dma_wait3A_93 = arith.constant 80 : i32
    %dma_wait3A_94 = arith.constant 0 : i32
    %dma_wait3A_95 = tpu.memref_slice %arg6[%dma_wait3A_93, %dma_wait3A_94] : memref<400x128xf32, #tpu.memory_space<vmem>> -> memref<80x128xf32, #tpu.memory_space<vmem>>
    %dma_wait3A_96 = arith.constant 9680 : i32
    %dma_wait3A_97 = tpu.memref_slice %arg5[%dma_wait3A_96] : memref<10000xi32, #tpu.memory_space<vmem>> -> memref<80xi32, #tpu.memory_space<vmem>>
    %dma_wait3A_98 = arith.constant 0 : i32
    %dma_wait3A_99 = arith.constant 0 : i32
    %dma_wait3A_100 = tpu.memref_slice %arg2[%dma_wait3A_98, %dma_wait3A_99] : memref<10000x128xf32, #tpu.memory_space<hbm>> -> memref<10000x128xf32, #tpu.memory_space<hbm>>
    tpu.wait_indirect_dma semaphore(%arg8 : memref<!tpu.dma_semaphore, #tpu.memory_space<semaphore_mem>>) src(%dma_wait3A_100 : memref<10000x128xf32, #tpu.memory_space<hbm>>) dst(%dma_wait3A_95 : memref<80x128xf32, #tpu.memory_space<vmem>>)
    %dma_wait3A_101 = arith.constant 160 : i32
    %dma_wait3A_102 = arith.constant 0 : i32
    %dma_wait3A_103 = tpu.memref_slice %arg6[%dma_wait3A_101, %dma_wait3A_102] : memref<400x128xf32, #tpu.memory_space<vmem>> -> memref<80x128xf32, #tpu.memory_space<vmem>>
    %dma_wait3A_104 = arith.constant 9760 : i32
    %dma_wait3A_105 = tpu.memref_slice %arg5[%dma_wait3A_104] : memref<10000xi32, #tpu.memory_space<vmem>> -> memref<80xi32, #tpu.memory_space<vmem>>
    %dma_wait3A_106 = arith.constant 0 : i32
    %dma_wait3A_107 = arith.constant 0 : i32
    %dma_wait3A_108 = tpu.memref_slice %arg2[%dma_wait3A_106, %dma_wait3A_107] : memref<10000x128xf32, #tpu.memory_space<hbm>> -> memref<10000x128xf32, #tpu.memory_space<hbm>>
    tpu.wait_indirect_dma semaphore(%arg8 : memref<!tpu.dma_semaphore, #tpu.memory_space<semaphore_mem>>) src(%dma_wait3A_108 : memref<10000x128xf32, #tpu.memory_space<hbm>>) dst(%dma_wait3A_103 : memref<80x128xf32, #tpu.memory_space<vmem>>)
    %dma_wait3A_109 = arith.constant 240 : i32
    %dma_wait3A_110 = arith.constant 0 : i32
    %dma_wait3A_111 = tpu.memref_slice %arg6[%dma_wait3A_109, %dma_wait3A_110] : memref<400x128xf32, #tpu.memory_space<vmem>> -> memref<80x128xf32, #tpu.memory_space<vmem>>
    %dma_wait3A_112 = arith.constant 9840 : i32
    %dma_wait3A_113 = tpu.memref_slice %arg5[%dma_wait3A_112] : memref<10000xi32, #tpu.memory_space<vmem>> -> memref<80xi32, #tpu.memory_space<vmem>>
    %dma_wait3A_114 = arith.constant 0 : i32
    %dma_wait3A_115 = arith.constant 0 : i32
    %dma_wait3A_116 = tpu.memref_slice %arg2[%dma_wait3A_114, %dma_wait3A_115] : memref<10000x128xf32, #tpu.memory_space<hbm>> -> memref<10000x128xf32, #tpu.memory_space<hbm>>
    tpu.wait_indirect_dma semaphore(%arg8 : memref<!tpu.dma_semaphore, #tpu.memory_space<semaphore_mem>>) src(%dma_wait3A_116 : memref<10000x128xf32, #tpu.memory_space<hbm>>) dst(%dma_wait3A_111 : memref<80x128xf32, #tpu.memory_space<vmem>>)
    %dma_wait3A_117 = arith.constant 320 : i32
    %dma_wait3A_118 = arith.constant 0 : i32
    %dma_wait3A_119 = tpu.memref_slice %arg6[%dma_wait3A_117, %dma_wait3A_118] : memref<400x128xf32, #tpu.memory_space<vmem>> -> memref<80x128xf32, #tpu.memory_space<vmem>>
    %dma_wait3A_120 = arith.constant 9920 : i32
    %dma_wait3A_121 = tpu.memref_slice %arg5[%dma_wait3A_120] : memref<10000xi32, #tpu.memory_space<vmem>> -> memref<80xi32, #tpu.memory_space<vmem>>
    %dma_wait3A_122 = arith.constant 0 : i32
    %dma_wait3A_123 = arith.constant 0 : i32
    %dma_wait3A_124 = tpu.memref_slice %arg2[%dma_wait3A_122, %dma_wait3A_123] : memref<10000x128xf32, #tpu.memory_space<hbm>> -> memref<10000x128xf32, #tpu.memory_space<hbm>>
    tpu.wait_indirect_dma semaphore(%arg8 : memref<!tpu.dma_semaphore, #tpu.memory_space<semaphore_mem>>) src(%dma_wait3A_124 : memref<10000x128xf32, #tpu.memory_space<hbm>>) dst(%dma_wait3A_119 : memref<80x128xf32, #tpu.memory_space<vmem>>)
    %add3A_125 = arith.constant 9600 : i32
    %add3A_126 = arith.addi %mul3A_2, %add3A_125 : i32
    %dma_start3A_127 = arith.constant 0 : i32
    %dma_start3A_128 = tpu.memref_slice %arg4[%add3A_126, %dma_start3A_127] : memref<320000x128xf32, #tpu.memory_space<hbm>> -> memref<400x128xf32, #tpu.memory_space<hbm>>
    %dma_start3A_129 = arith.constant 0 : i32
    %dma_start3A_130 = tpu.memref_slice %arg4[%add3A_126, %dma_start3A_129] : memref<320000x128xf32, #tpu.memory_space<hbm>> -> memref<400x128xf32, #tpu.memory_space<hbm>>
    tpu.enqueue_dma source(%arg6 : memref<400x128xf32, #tpu.memory_space<vmem>>) target(%dma_start3A_130 : memref<400x128xf32, #tpu.memory_space<hbm>>) target_semaphore(%arg10 : memref<!tpu.dma_semaphore, #tpu.memory_space<semaphore_mem>>)
    %add3A_131 = arith.constant 9600 : i32
    %add3A_132 = arith.addi %mul3A_2, %add3A_131 : i32
    %dma_wait3A_133 = arith.constant 0 : i32
    %dma_wait3A_134 = tpu.memref_slice %arg4[%add3A_132, %dma_wait3A_133] : memref<320000x128xf32, #tpu.memory_space<hbm>> -> memref<400x128xf32, #tpu.memory_space<hbm>>
    %dma_wait3A_135 = arith.constant 0 : i32
    %dma_wait3A_136 = tpu.memref_slice %arg4[%add3A_132, %dma_wait3A_135] : memref<320000x128xf32, #tpu.memory_space<hbm>> -> memref<400x128xf32, #tpu.memory_space<hbm>>
    tpu.wait_dma2 semaphore(%arg10 : memref<!tpu.dma_semaphore, #tpu.memory_space<semaphore_mem>>) src(%arg6 : memref<400x128xf32, #tpu.memory_space<vmem>>) dst(%dma_wait3A_136 : memref<400x128xf32, #tpu.memory_space<hbm>>)
    return
  }
}

module attributes {stable_mosaic.version = 14 : i64} {
  func.func @_cutoff_body(%arg0: memref<2500x128xf32, #tpu.memory_space<vmem>>, %arg1: memref<2500x128xf32, #tpu.memory_space<vmem>>) attributes {dimension_semantics = [], scalar_prefetch = 0 : i64, scratch_operands = 0 : i64, tpu.core_type = #tpu.core_type<tc>} {
    %get3A = arith.constant 0 : index
    %get3A_0 = arith.constant 0 : index
    %get3A_1 = vector.load %arg0[%get3A, %get3A_0] : memref<2500x128xf32, #tpu.memory_space<vmem>>, vector<2500x128xf32>
    %mul3A = arith.constant 0.628318548 : f32
    %mul3A_2 = vector.broadcast %mul3A : f32 to vector<2500x128xf32>
    %mul3A_3 = arith.mulf %get3A_1, %mul3A_2 : vector<2500x128xf32>
    %cos3A = math.cos %mul3A_3 : vector<2500x128xf32>
    %add3A = arith.constant 1.000000e+00 : f32
    %add3A_4 = vector.broadcast %add3A : f32 to vector<2500x128xf32>
    %add3A_5 = arith.addf %cos3A, %add3A_4 : vector<2500x128xf32>
    %mul3A_6 = arith.constant 5.000000e-01 : f32
    %mul3A_7 = vector.broadcast %mul3A_6 : f32 to vector<2500x128xf32>
    %mul3A_8 = arith.mulf %mul3A_7, %add3A_5 : vector<2500x128xf32>
    %lt3A = arith.constant 5.000000e+00 : f32
    %lt3A_9 = vector.broadcast %lt3A : f32 to vector<2500x128xf32>
    %lt3A_10 = arith.cmpf olt, %get3A_1, %lt3A_9 : vector<2500x128xf32>
    %convert_element_type3A = arith.extui %lt3A_10 : vector<2500x128xi1> to vector<2500x128xi32>
    %convert_element_type3A_11 = arith.sitofp %convert_element_type3A : vector<2500x128xi32> to vector<2500x128xf32>
    %mul3A_12 = arith.mulf %mul3A_8, %convert_element_type3A_11 : vector<2500x128xf32>
    %swap3A = arith.constant 0 : index
    %swap3A_13 = arith.constant 0 : index
    %swap3A_14 = vector.load %arg1[%swap3A, %swap3A_13] : memref<2500x128xf32, #tpu.memory_space<vmem>>, vector<2500x128xf32>
    tpu.vector_store %arg1[%swap3A, %swap3A_13], %mul3A_12 {strides = array<i32>} : memref<2500x128xf32, #tpu.memory_space<vmem>>, vector<2500x128xf32>,
    return
  }
}

module attributes {stable_mosaic.version = 14 : i64} {
  func.func @_lin1_body(%arg0: memref<10000x128xf32, #tpu.memory_space<vmem>>, %arg1: memref<128x128xf32, #tpu.memory_space<vmem>>, %arg2: memref<10000x128xf32, #tpu.memory_space<vmem>>) attributes {dimension_semantics = [], scalar_prefetch = 0 : i64, scratch_operands = 0 : i64, tpu.core_type = #tpu.core_type<tc>} {
    %get3A = arith.constant 0 : index
    %get3A_0 = arith.constant 0 : index
    %get3A_1 = vector.load %arg0[%get3A, %get3A_0] : memref<10000x128xf32, #tpu.memory_space<vmem>>, vector<10000x128xf32>
    %get3A_2 = arith.constant 0 : index
    %get3A_3 = arith.constant 0 : index
    %get3A_4 = vector.load %arg1[%get3A_2, %get3A_3] : memref<128x128xf32, #tpu.memory_space<vmem>>, vector<128x128xf32>
    %dot_general3A = arith.constant dense<0.000000e+00> : vector<10000x128xf32>
    %dot_general3A_5 = tpu.matmul %get3A_1, %get3A_4, %dot_general3A {dimension_numbers = #tpu.dot_dimension_numbers<[1], [0], [0], [1], [0, 0, 1, 1], [], []>, transpose_lhs_hint = false} : vector<10000x128xf32>, vector<128x128xf32>, vector<10000x128xf32> -> vector<10000x128xf32>
    %swap3A = arith.constant 0 : index
    %swap3A_6 = arith.constant 0 : index
    %swap3A_7 = vector.load %arg2[%swap3A, %swap3A_6] : memref<10000x128xf32, #tpu.memory_space<vmem>>, vector<10000x128xf32>
    tpu.vector_store %arg2[%swap3A, %swap3A_6], %dot_general3A_5 {strides = array<i32>} : memref<10000x128xf32, #tpu.memory_space<vmem>>, vector<10000x128xf32>,
    return
  }
}

module attributes {stable_mosaic.version = 14 : i64} {
  func.func @_modulate_body(%arg0: i32, %arg1: memref<6400x16xf32, #tpu.memory_space<vmem>>, %arg2: memref<1x50x128xf32, #tpu.memory_space<vmem>>, %arg3: memref<6400x128xf32, #tpu.memory_space<vmem>>, %arg4: memref<16x128xf32, #tpu.memory_space<vmem>>, %arg5: memref<1x128xf32, #tpu.memory_space<vmem>>, %arg6: memref<128x128xf32, #tpu.memory_space<vmem>>, %arg7: memref<1x128xf32, #tpu.memory_space<vmem>>, %arg8: memref<6400x128xf32, #tpu.memory_space<vmem>>) attributes {dimension_semantics = [#tpu.dimension_semantics<arbitrary>], iteration_bounds = array<i64: 50>, scalar_prefetch = 0 : i64, scratch_operands = 0 : i64, tpu.core_type = #tpu.core_type<tc>, window_params = [{transform_indices = @transform_0, window_bounds = array<i64: 6400, 16>}, {transform_indices = @transform_1, window_bounds = array<i64: 1, 50, 128>}, {transform_indices = @transform_2, window_bounds = array<i64: 6400, 128>}, {pipeline_mode = #tpu.pipeline_mode<synchronous>, transform_indices = @transform_3, window_bounds = array<i64: 16, 128>}, {pipeline_mode = #tpu.pipeline_mode<synchronous>, transform_indices = @transform_4, window_bounds = array<i64: 1, 128>}, {pipeline_mode = #tpu.pipeline_mode<synchronous>, transform_indices = @transform_5, window_bounds = array<i64: 128, 128>}, {pipeline_mode = #tpu.pipeline_mode<synchronous>, transform_indices = @transform_6, window_bounds = array<i64: 1, 128>}, {transform_indices = @transform_7, window_bounds = array<i64: 6400, 128>}]} {
    %get3A = arith.constant 0 : index
    %get3A_0 = arith.constant 0 : index
    %get3A_1 = vector.load %arg1[%get3A, %get3A_0] : memref<6400x16xf32, #tpu.memory_space<vmem>>, vector<6400x16xf32>
    %get3A_2 = arith.constant 0 : index
    %get3A_3 = arith.constant 0 : index
    %get3A_4 = vector.load %arg4[%get3A_2, %get3A_3] : memref<16x128xf32, #tpu.memory_space<vmem>>, vector<16x128xf32>
    %dot_general3A = arith.constant dense<0.000000e+00> : vector<6400x128xf32>
    %dot_general3A_5 = tpu.matmul %get3A_1, %get3A_4, %dot_general3A {dimension_numbers = #tpu.dot_dimension_numbers<[1], [0], [0], [1], [0, 0, 1, 1], [], []>, transpose_lhs_hint = false} : vector<6400x16xf32>, vector<16x128xf32>, vector<6400x128xf32> -> vector<6400x128xf32>
    %get3A_6 = arith.constant 0 : index
    %get3A_7 = arith.constant 0 : index
    %get3A_8 = vector.load %arg5[%get3A_6, %get3A_7] : memref<1x128xf32, #tpu.memory_space<vmem>>, vector<1x128xf32>
    %add3A = vector.broadcast %get3A_8 : vector<1x128xf32> to vector<6400x128xf32>
    %add3A_9 = arith.addf %dot_general3A_5, %add3A : vector<6400x128xf32>
    %tanh3A = math.tanh %add3A_9 : vector<6400x128xf32>
    %get3A_10 = arith.constant 0 : index
    %get3A_11 = arith.constant 0 : index
    %get3A_12 = vector.load %arg6[%get3A_10, %get3A_11] : memref<128x128xf32, #tpu.memory_space<vmem>>, vector<128x128xf32>
    %dot_general3A_13 = arith.constant dense<0.000000e+00> : vector<6400x128xf32>
    %dot_general3A_14 = tpu.matmul %tanh3A, %get3A_12, %dot_general3A_13 {dimension_numbers = #tpu.dot_dimension_numbers<[1], [0], [0], [1], [0, 0, 1, 1], [], []>, transpose_lhs_hint = false} : vector<6400x128xf32>, vector<128x128xf32>, vector<6400x128xf32> -> vector<6400x128xf32>
    %get3A_15 = arith.constant 0 : index
    %get3A_16 = arith.constant 0 : index
    %get3A_17 = vector.load %arg7[%get3A_15, %get3A_16] : memref<1x128xf32, #tpu.memory_space<vmem>>, vector<1x128xf32>
    %add3A_18 = vector.broadcast %get3A_17 : vector<1x128xf32> to vector<6400x128xf32>
    %add3A_19 = arith.addf %dot_general3A_14, %add3A_18 : vector<6400x128xf32>
    %get3A_20 = arith.constant 0 : index
    %get3A_21 = arith.constant 0 : index
    %get3A_22 = vector.load %arg3[%get3A_20, %get3A_21] : memref<6400x128xf32, #tpu.memory_space<vmem>>, vector<6400x128xf32>
    %mul3A = arith.mulf %get3A_22, %add3A_19 : vector<6400x128xf32>
    %reshape3A = vector.shape_cast %mul3A : vector<6400x128xf32> to vector<50x128x128xf32>
    %get3A_23 = arith.constant 0 : index
    %get3A_24 = arith.constant 0 : index
    %get3A_25 = arith.constant 0 : index
    %get3A_26 = vector.load %arg2[%get3A_23, %get3A_24, %get3A_25] : memref<1x50x128xf32, #tpu.memory_space<vmem>>, vector<1x50x128xf32>
    %get3A_27 = vector.shape_cast %get3A_26 : vector<1x50x128xf32> to vector<50x128xf32>
    %broadcast_in_dim3A = vector.shape_cast %get3A_27 : vector<50x128xf32> to vector<50x128x1xf32>
    %mul3A_28 = vector.broadcast %broadcast_in_dim3A : vector<50x128x1xf32> to vector<50x128x128xf32>
    %mul3A_29 = arith.mulf %reshape3A, %mul3A_28 : vector<50x128x128xf32>
    %reshape3A_30 = vector.shape_cast %mul3A_29 : vector<50x128x128xf32> to vector<6400x128xf32>
    %swap3A = arith.constant 0 : index
    %swap3A_31 = arith.constant 0 : index
    %swap3A_32 = vector.load %arg8[%swap3A, %swap3A_31] : memref<6400x128xf32, #tpu.memory_space<vmem>>, vector<6400x128xf32>
    tpu.vector_store %arg8[%swap3A, %swap3A_31], %reshape3A_30 {strides = array<i32>} : memref<6400x128xf32, #tpu.memory_space<vmem>>, vector<6400x128xf32>,
    return
  }
  func.func @transform_0(%arg0: i32) -> (i32, i32) {
    %c0_i32 = arith.constant 0 : i32
    %c0_i32_0 = arith.constant 0 : i32
    return %arg0, %c0_i32 : i32, i32
  }
  func.func @transform_1(%arg0: i32) -> (i32, i32, i32) {
    %c0_i32 = arith.constant 0 : i32
    %c0_i32_0 = arith.constant 0 : i32
    %c0_i32_1 = arith.constant 0 : i32
    return %arg0, %c0_i32, %c0_i32_0 : i32, i32, i32
  }
  func.func @transform_2(%arg0: i32) -> (i32, i32) {
    %c0_i32 = arith.constant 0 : i32
    %c0_i32_0 = arith.constant 0 : i32
    return %arg0, %c0_i32 : i32, i32
  }
  func.func @transform_3(%arg0: i32) -> (i32, i32) {
    %c0_i32 = arith.constant 0 : i32
    %c0_i32_0 = arith.constant 0 : i32
    %c0_i32_1 = arith.constant 0 : i32
    return %c0_i32, %c0_i32_0 : i32, i32
  }
  func.func @transform_4(%arg0: i32) -> (i32, i32) {
    %c0_i32 = arith.constant 0 : i32
    %c0_i32_0 = arith.constant 0 : i32
    %c0_i32_1 = arith.constant 0 : i32
    return %c0_i32, %c0_i32_0 : i32, i32
  }
  func.func @transform_5(%arg0: i32) -> (i32, i32) {
    %c0_i32 = arith.constant 0 : i32
    %c0_i32_0 = arith.constant 0 : i32
    %c0_i32_1 = arith.constant 0 : i32
    return %c0_i32, %c0_i32_0 : i32, i32
  }
  func.func @transform_6(%arg0: i32) -> (i32, i32) {
    %c0_i32 = arith.constant 0 : i32
    %c0_i32_0 = arith.constant 0 : i32
    %c0_i32_1 = arith.constant 0 : i32
    return %c0_i32, %c0_i32_0 : i32, i32
  }
  func.func @transform_7(%arg0: i32) -> (i32, i32) {
    %c0_i32 = arith.constant 0 : i32
    %c0_i32_0 = arith.constant 0 : i32
    return %arg0, %c0_i32 : i32, i32
  }
}

module attributes {stable_mosaic.version = 14 : i64} {
  func.func @_out_body(%arg0: memref<2x10000x128xf32, #tpu.memory_space<vmem>>, %arg1: memref<128x128xf32, #tpu.memory_space<vmem>>, %arg2: memref<1x128xf32, #tpu.memory_space<vmem>>, %arg3: memref<128x128xf32, #tpu.memory_space<vmem>>, %arg4: memref<1x128xf32, #tpu.memory_space<vmem>>, %arg5: memref<10000x128xf32, #tpu.memory_space<vmem>>) attributes {dimension_semantics = [], scalar_prefetch = 0 : i64, scratch_operands = 0 : i64, tpu.core_type = #tpu.core_type<tc>} {
    %get3A = arith.constant 0 : index
    %get3A_0 = arith.constant 0 : index
    %get3A_1 = arith.constant 0 : index
    %get3A_2 = vector.load %arg0[%get3A, %get3A_0, %get3A_1] : memref<2x10000x128xf32, #tpu.memory_space<vmem>>, vector<1x10000x128xf32>
    %get3A_3 = vector.shape_cast %get3A_2 : vector<1x10000x128xf32> to vector<10000x128xf32>
    %get3A_4 = arith.constant 1 : index
    %get3A_5 = arith.constant 0 : index
    %get3A_6 = arith.constant 0 : index
    %get3A_7 = vector.load %arg0[%get3A_4, %get3A_5, %get3A_6] : memref<2x10000x128xf32, #tpu.memory_space<vmem>>, vector<1x10000x128xf32>
    %get3A_8 = vector.shape_cast %get3A_7 : vector<1x10000x128xf32> to vector<10000x128xf32>
    %add3A = arith.addf %get3A_3, %get3A_8 : vector<10000x128xf32>
    %get3A_9 = arith.constant 0 : index
    %get3A_10 = arith.constant 0 : index
    %get3A_11 = vector.load %arg1[%get3A_9, %get3A_10] : memref<128x128xf32, #tpu.memory_space<vmem>>, vector<128x128xf32>
    %dot_general3A = arith.constant dense<0.000000e+00> : vector<10000x128xf32>
    %dot_general3A_12 = tpu.matmul %add3A, %get3A_11, %dot_general3A {dimension_numbers = #tpu.dot_dimension_numbers<[1], [0], [0], [1], [0, 0, 1, 1], [], []>, transpose_lhs_hint = false} : vector<10000x128xf32>, vector<128x128xf32>, vector<10000x128xf32> -> vector<10000x128xf32>
    %get3A_13 = arith.constant 0 : index
    %get3A_14 = arith.constant 0 : index
    %get3A_15 = vector.load %arg2[%get3A_13, %get3A_14] : memref<1x128xf32, #tpu.memory_space<vmem>>, vector<1x128xf32>
    %add3A_16 = vector.broadcast %get3A_15 : vector<1x128xf32> to vector<10000x128xf32>
    %add3A_17 = arith.addf %dot_general3A_12, %add3A_16 : vector<10000x128xf32>
    %tanh3A = math.tanh %add3A_17 : vector<10000x128xf32>
    %get3A_18 = arith.constant 0 : index
    %get3A_19 = arith.constant 0 : index
    %get3A_20 = vector.load %arg3[%get3A_18, %get3A_19] : memref<128x128xf32, #tpu.memory_space<vmem>>, vector<128x128xf32>
    %dot_general3A_21 = arith.constant dense<0.000000e+00> : vector<10000x128xf32>
    %dot_general3A_22 = tpu.matmul %tanh3A, %get3A_20, %dot_general3A_21 {dimension_numbers = #tpu.dot_dimension_numbers<[1], [0], [0], [1], [0, 0, 1, 1], [], []>, transpose_lhs_hint = false} : vector<10000x128xf32>, vector<128x128xf32>, vector<10000x128xf32> -> vector<10000x128xf32>
    %get3A_23 = arith.constant 0 : index
    %get3A_24 = arith.constant 0 : index
    %get3A_25 = vector.load %arg4[%get3A_23, %get3A_24] : memref<1x128xf32, #tpu.memory_space<vmem>>, vector<1x128xf32>
    %add3A_26 = vector.broadcast %get3A_25 : vector<1x128xf32> to vector<10000x128xf32>
    %add3A_27 = arith.addf %dot_general3A_22, %add3A_26 : vector<10000x128xf32>
    %swap3A = arith.constant 0 : index
    %swap3A_28 = arith.constant 0 : index
    %swap3A_29 = vector.load %arg5[%swap3A, %swap3A_28] : memref<10000x128xf32, #tpu.memory_space<vmem>>, vector<10000x128xf32>
    tpu.vector_store %arg5[%swap3A, %swap3A_28], %add3A_27 {strides = array<i32>} : memref<10000x128xf32, #tpu.memory_space<vmem>>, vector<10000x128xf32>,
    return
  }
}

</mosaic_0001>

<sc_bundles>
// kernel: kernel.11.cloned.1.call-start
scs
__scs_entry_jumppad:
0x0: {  	(pc) =	sbr.rel $0x88, $3  }
0x1: {  	(tag) =	ssettag $0x0;
	lr =	simm.s32 $0x1  }
0x2: {  	[smem:$0x3F94] =	sst lr;
	_ =	strace $0xD0000000  }
0x3: {  	_ = 	snop  }
0x4: {  	_ = 	snop  }
0x5: {  	_ = 	snop  }
0x6: {  	_ = 	snop  }
0x7: {  	_ = 	snop  }
__scs_overlays_trampoline_lowered:
0x8: {  	[smem:$0x3FA3] =	sst s0  }
0x9: {  	[smem:$0x3FA4] =	sst s1  }
0xa: {  	[smem:$0x3FA5] =	sst s2  }
0xb: {  	[smem:$0x3FA6] =	sst s3  }
0xc: {  	[smem:$0x3FA7] =	sst s4  }
0xd: {  	[smem:$0x3FA8] =	sst s5  }
0xe: {  	[smem:$0x3FA9] =	sst s6  }
0xf: {  	[smem:$0x3FAA] =	sst s7  }
0x10: {  	[smem:$0x3FAB] =	sst s8  }
0x11: {  	[smem:$0x3FAC] =	sst s9;
	s0 =	simm.s32 @!p0 $0x0  }
0x12: {  	s1 =	sld [smem:$0x3F92];
	s0 =	simm.s32 @p0 $0x1  }
0x13: {  	[smem:$0x3FAD] =	sst s0;
	s0 =	simm.s32 @!p1 $0x0  }
0x14: {  	s2 =	sld [smem:$0x3F91];
	s0 =	simm.s32 @p1 $0x1  }
0x15: {  	[smem:$0x3FAE] =	sst s0;
	s0 =	simm.s32 @!p2 $0x0  }
0x16: {  	s3 =	sld [smem:$0x3FDB];
	s0 =	simm.s32 @p2 $0x1  }
0x17: {  	s4 =	simm.s32 $0x1BF5;
	[smem:$0x3FB0] =	sst s0  }
0x18: {  	s0 =	sld [smem:$0x3F93];
	_ =	swait.ge [sflag:s4], $0x0  }
0x19: {  	s7 =	sld [smem:$0x3F94]  }
0x1a: {  	s8 =	sadd.s32 $0xFFFFE003, lr  }
0x1b: {  	s9 =	sadd.s32 $0xFFFFFEF7, lr;
	s5 =	simm.s32 $0xFFFFFFFF;
	p2 =	slt.u32 s8, $0xFFFFF086  }
0x1c: {  	p1 =	slt.u32 s9, $0xF7A;
	s5 =	simm.s32 @!p2 $0x0  }
0x1d: {  	s5 =	simm.s32 @p1 $0x1;
	p0 =	seq.s32 s7, s2  }
0x1e: {  	s7 =	smul.u32 @!p0 $0xF7A, s2;
	p2 =	seq.s32 @!p0 s5, $0x0  }
0x1f: {  	s9 =	smul.u32 $0xF7A, s1;
	s8 =	simm.s32 @!p0 $0x1BF5;
	p2 =	por !p2, p0  }
0x20: {  	[sflag:s8] =	ssyncset.s32 @!p0 $0xFFFFF086;
	s6 =	sadd.s32 @!p0 s3, s7;
	s7 =	simm.s32 @!p0 $0x108  }
0x21: {  	s3 =	sadd.s32 s3, s9;
	s6 =	sadd.s32 @!p0 $0x88, s6;
	s7 =	simm.s32 @p2 $0x1082  }
0x22: {  	[simem:s7], [sflag:s8] =	dma.local @!p0 [hbm:s6], $0xF7A  }
0x23: {  	s9 =	sor.u32 $0xD0000000, s2;
	s6 =	simm.s32 $0x108;
	_ =	swait.ge @!p0 [sflag:s8], $0x0  }
0x24: {  	s3 =	sadd.s32 $0x88, s3;
	s6 =	simm.s32 @!p1 $0x1082;
	[sflag:s4] =	ssyncset.s32 $0xFFFFF086  }
0x25: {  	[simem:s6], [sflag:s4] =	dma.local [hbm:s3], $0xF7A  }
0x26: {  	[smem:$0x3F94] =	sst s1;
	(tag) =	ssettag s2;
	_ =	strace s9  }
0x27: {  	s1 =	sld [smem:$0x3FA4]  }
0x28: {  	s2 =	sld [smem:$0x3FA5]  }
0x29: {  	s4 =	sld [smem:$0x3FA7]  }
0x2a: {  	p0 =	seq.s32 s5, $0x0;
	s5 =	sld [smem:$0x3FA8]  }
0x2b: {  	s6 =	sld [smem:$0x3FA9]  }
0x2c: {  	s7 =	sld [smem:$0x3FAA]  }
0x2d: {  	s3 =	simm.s32 $0x108;
	s8 =	sld [smem:$0x3FAB]  }
0x2e: {  	s3 =	simm.s32 @!p0 $0x1082;
	s9 =	sld [smem:$0x3FAC]  }
0x2f: {  	lr =	sadd.s32 s0, s3;
	s0 =	sld [smem:$0x3FA3]  }
0x30: {  	s3 =	sld [smem:$0x3FA6]  }
0x31: {  	[smem:$0x3FAF] =	sst s10  }
0x32: {  	s10 =	sld [smem:$0x3FAD];
	_ =	sdelay $0x3  }
0x33: {  	p0 =	seq.s32 s10, $0x1;
	s10 =	sld [smem:$0x3FAF];
	_ =	sdelay $0x3  }
0x34: {  	[smem:$0x3FAF] =	sst s10  }
0x35: {  	s10 =	sld [smem:$0x3FAE];
	_ =	sdelay $0x3  }
0x36: {  	p1 =	seq.s32 s10, $0x1;
	s10 =	sld [smem:$0x3FAF];
	_ =	sdelay $0x3  }
0x37: {  	[smem:$0x3FAF] =	sst s10  }
0x38: {  	s10 =	sld [smem:$0x3FB0]  }
0x39: {  	_ = 	snop;
	(pc) =	sbr.ind lr, $3  }
0x3a: {  	_ = 	snop  }
0x3b: {  	_ = 	snop  }
0x3c: {  	p2 =	seq.s32 s10, $0x1;
	s10 =	sld [smem:$0x3FAF]  }
0x3d: {  	_ =	shalt  }
0x3e: {  	_ =	shalt  }
0x3f: {  	_ =	shalt  }
0x40: {  	_ =	shalt  }
0x41: {  	_ =	shalt  }
0x42: {  	_ =	shalt  }
0x43: {  	_ =	shalt  }
0x44: {  	_ =	shalt  }
0x45: {  	_ =	shalt  }
0x46: {  	_ =	shalt  }
0x47: {  	_ =	shalt  }
0x48: {  	_ =	shalt  }
0x49: {  	_ =	shalt  }
0x4a: {  	_ =	shalt  }
0x4b: {  	_ =	shalt  }
0x4c: {  	_ =	shalt  }
0x4d: {  	_ =	shalt  }
0x4e: {  	_ =	shalt  }
0x4f: {  	_ =	shalt  }
0x50: {  	_ =	shalt  }
0x51: {  	_ =	shalt  }
0x52: {  	_ =	shalt  }
0x53: {  	_ =	shalt  }
0x54: {  	_ =	shalt  }
0x55: {  	_ =	shalt  }
0x56: {  	_ =	shalt  }
0x57: {  	_ =	shalt  }
0x58: {  	_ =	shalt  }
0x59: {  	_ =	shalt  }
0x5a: {  	_ =	shalt  }
0x5b: {  	_ =	shalt  }
0x5c: {  	_ =	shalt  }
0x5d: {  	_ =	shalt  }
0x5e: {  	_ =	shalt  }
0x5f: {  	_ =	shalt  }
0x60: {  	_ =	shalt  }
0x61: {  	_ =	shalt  }
0x62: {  	_ =	shalt  }
0x63: {  	_ =	shalt  }
0x64: {  	_ =	shalt  }
0x65: {  	_ =	shalt  }
0x66: {  	_ =	shalt  }
0x67: {  	_ =	shalt  }
0x68: {  	_ =	shalt  }
0x69: {  	_ =	shalt  }
0x6a: {  	_ =	shalt  }
0x6b: {  	_ =	shalt  }
0x6c: {  	_ =	shalt  }
0x6d: {  	_ =	shalt  }
0x6e: {  	_ =	shalt  }
0x6f: {  	_ =	shalt  }
0x70: {  	_ =	shalt  }
0x71: {  	_ =	shalt  }
0x72: {  	_ =	shalt  }
0x73: {  	_ =	shalt  }
0x74: {  	_ =	shalt  }
0x75: {  	_ =	shalt  }
0x76: {  	_ =	shalt  }
0x77: {  	_ =	shalt  }
0x78: {  	_ =	shalt  }
0x79: {  	_ =	shalt  }
0x7a: {  	_ =	shalt  }
0x7b: {  	_ =	shalt  }
0x7c: {  	_ =	shalt  }
0x7d: {  	_ =	shalt  }
0x7e: {  	_ =	shalt  }
0x7f: {  	_ =	shalt  }
0x80: {  	_ =	shalt  }
0x81: {  	_ =	shalt  }
0x82: {  	_ =	shalt  }
0x83: {  	_ =	shalt  }
0x84: {  	_ =	shalt  }
0x85: {  	_ =	shalt  }
0x86: {  	_ =	shalt  }
0x87: {  	_ =	shalt  }
.Lfunc_end0:
.L_simem_size_0:
called_computation.1_lowered:
.L_overlay_start_0:
0x88: {  	s2 =	sld [smem:$0x3FD9]  }
0x89: {  	s3 =	sld [smem:$0x3FFE];
	_ =	sdelay $0x1  }
0x8a: {  	s1 =	srdreg.scid  }
0x8b: {  	s0 =	sand.u32 $0x1, s1  }
0x8c: {  	s17 =	sshll.u32 s0, $0xA;
	s2 =	sadd.s32 s3, s2  }
0x8d: {  	s2 =	sadd.s32 s2, s17  }
0x8e: {  	[smem:$0x3FBB] =	sst s2  }
0x8f: {  	_ = 	snop  }
0x90: {  	s2 =	sld [smem:$0x3FD0];
	(tm) =	ssettm $0x1  }
0x91: {  	s18 =	sld [smem:$0x3FFB];
	_ =	sdelay $0x3  }
0x92: {  	_ =	strace s18  }
0x93: {  	s3 =	sld [smem:$0x3FFC];
	_ =	sdelay $0x3  }
0x94: {  	_ =	strace s3  }
0x95: {  	s3 =	sld [smem:$0x3FFD];
	_ =	sdelay $0x3  }
0x96: {  	_ =	strace s3  }
0x97: {  	_ =	strace $0x8FFFFFFF  }
0x98: {  	s19 =	sld [smem:$0x3FDB];
	_ =	sdelay $0x1  }
0x99: {  	s4 =	simm.s32 $_scs_section_size  }
0x9a: {  	s5 =	simm.s32 $_size__tile_overlayer_lowered;
	s6 =	simm.s32 $_tile_overlayer_lowered  }
0x9b: {  	s22 =	simm.s32 $0x1BFF;
	s21 =	sshll.u32 s6, $0x1;
	s3 =	sadd.s32 s4, s19  }
0x9c: {  	s7 =	simm.s32 $0x0;
	s20 =	sshll.u32 s5, $0x1;
	s5 =	sadd.s32 s21, s3  }
0x9d: {  	[timem:s7], [sflag:s22] =	dma.local [hbm:s5], s20  }
0x9e: {  	_ =	swait.ge [sflag:s22], s20  }
0x9f: {  	s4 =	ssub.s32 $0x0, s20;
	[sflag:s22] =	ssyncset.done $0x0  }
0xa0: {  	[sflag:s22] =	ssyncadd.s32 s4;
	_ =	sdelay $0x1  }
0xa1: {  	s23 =	simm.s32 $0x1B8B  }
0xa2: {  	_ =	swait.ge [sflag:s23], $0x1  }
0xa3: {  	[sflag:s23] =	ssyncset.done $0x0  }
0xa4: {  	s25 =	simm.s32 $0x1B8E;
	s24 =	sld [smem:$0x3FFE];
	[sflag:s23] =	ssyncadd.s32 $0xFFFFFFFF  }
0xa5: {  	s26 =	simm.s32 $execute0_lowered;
	[smem:$0x3FD2] =	sst s25  }
0xa6: {  	s5 =	sshll.u32 s26, $0x1;
	_ =	strace $0x80000049;
	[dreg:$0x1] =	wrdreg $0xFFFFFFFF  }
0xa7: {  	s28 =	simm.s32 $_size_execute0_lowered;
	s3 =	sadd.s32 s3, s5;
	[dreg:$0x0] =	wrdreg $0x0  }
0xa8: {  	s5 =	sshll.u32 s28, $0x1;
	[dreg:$0x2] =	wrdreg s3  }
0xa9: {  	[dreg:$0x3] =	wrdreg s5  }
0xaa: {  	[dreg:$0x4] =	wrdreg $0xC0  }
0xab: {  	_ =	task [dreg:s7], $0x5FFFF  }
0xac: {  	[dreg:$0x1] =	wrdreg $0xFFFFFFFF  }
0xad: {  	[dreg:$0x0] =	wrdreg $0x60  }
0xae: {  	[dreg:$0x2] =	wrdreg s24  }
0xaf: {  	[dreg:$0x3] =	wrdreg s2  }
0xb0: {  	[dreg:$0x4] =	wrdreg $0x90000  }
0xb1: {  	[dreg:$0x5] =	wrdreg $0x9  }
0xb2: {  	_ =	task.clear_ibuf [dreg:s7], $0x6FFFF;
	_ =	strace $0x90000049  }
0xb3: {  	s29 =	simm.s32 $0x9;
	_ =	strace $0x8000004B  }
0xb4: {  	_ =	swait.ge [sflag:s29], $0x1  }
0xb5: {  	[sflag:s29] =	ssyncadd.s32 $0xFFFFFFFF  }
0xb6: {  	_ =	strace $0x9000004B  }
0xb7: {  	_ =	sfence  }
0xb8: {  	s30 =	sld [smem:$0x0];
	_ =	sdelay $0x2  }
0xb9: {  	s31 =	sshll.u32 s1, $0xD;
	s1 =	sshrl.u32 s1, $0x2  }
0xba: {  	s3 =	sand.u32 $0x4000, s31;
	s1 =	sadd.s32 s1, s30  }
0xbb: {  	s0 =	sor.u32 s3, s0;
	s1 =	sshll.u32 s1, $0x11  }
0xbc: {  	s0 =	sor.u32 s1, s0  }
0xbd: {  	s0 =	sadd.s32 $0x8F2B, s0  }
0xbe: {  	[sflag:s0] =	ssyncadd.remote.s32 $0x1  }
0xbf: {  	_ =	sfence.sel $0xFFFF  }
0xc0: {  	[dreg:$0x0] =	wrdreg $0xFFFFFFFF;
	(pc) =	sbr.abs _section_cstart, $3  }
0xc1: {  	[dreg:$0x1] =	wrdreg $0xFFFFFFFF  }
0xc2: {  	_ =	task.clear_ibuf [dreg:s7], $0x2FFFF;
	_ =	strace $0x9FFFFFFF  }
0xc3: {  	(tm) =	ssettm $0x7FFFFFFF  }
tec
execute0_lowered:
.L_overlay_start_1:
0x0: {  	(tag) =	ssettag $0x1  }
0x1: {  	s4 =	rddreg [dreg:$0x0]  }
0x2: {  	s7 =	rddreg [dreg:$0x1]  }
0x3: {  	s2 =	rddreg [dreg:$0x2];
	s3 =	simm.s32 $0x0;
	s5 =	srdreg.scid  }
0x4: {  	s1 =	stileid.u32;
	s20 =	simm.s32 $0x1;
	[smem:$0x7FF] =	sst s3  }
0x5: {  	s10 =	sand.u32 $0x1, s5;
	s21 =	sshll.u32 s1, $0x1;
	s6 =	smul.u32 $0x4E000, s1  }
0x6: {  	s11 =	sadd.s32 $0x9E9800, s4;
	s12 =	smul.u32 $0x13800, s1;
	s13 =	sadd.s32 $0x1C00, s4  }
0x7: {  	s17 =	sadd.s32 $0x138000, s2;
	s18 =	smul.u32 $0x4E200, s1;
	p0 =	sne.s32 s1, $0xF  }
0x8: {  	s25 =	sshll.u32 s1, $0x6;
	_ =	strace $0x8000004A;
	s28 =	smul.u32 $0x138800, s10  }
0x9: {  	s8 =	sor.u32 s10, s21;
	s22 =	ssub.s32 $0x2, s10;
	s19 =	smul.u32 $0x27100, s10  }
0xa: {  	s17 =	sshrl.u32 @!p0 s17, $0x3;
	s21 =	simm.s32 $0x50;
	s5 =	sshll.u32 s8, $0xB  }
0xb: {  	s23 =	sshrl.u32 s22, $0x1;
	s6 =	sshrl.u32 s6, $0x2;
	s16 =	smul.u32 $0x138800, s8  }
0xc: {  	s24 =	sshrl.u32 s12, $0x3;
	s8 =	smul.u32 $0x27100, s8;
	s30 =	sadd.s32 s18, s11  }
0xd: {  	s18 =	simm.s32 $0x4000;
	s9 =	sadd.s32 s5, s4;
	s14 =	ssub.s32 s22, s23  }
0xe: {  	s15 =	sadd.s32 s6, s2;
	s4 =	sadd.s32 s7, s24;
	s5 =	sor.u32 $0x1C03, s25  }
0xf: {  	s7 =	sadd.s32 $0x27000, s7;
	s12 =	sadd.s32 s12, s28;
	s31 =	sadd.s32 s19, s30  }
0x10: {  	s19 =	simm.s32 $0x6800;
	s22 =	simm.s32 $0x2;
	s23 =	simm.s32 $0x3D00  }
0x11: {  	s24 =	simm.s32 $0x3D80;
	s25 =	simm.s32 $0x3E00;
	s6 =	sadd.s32 $0x9D9800, s9  }
0x12: {  	s26 =	sshrl.u32 s16, $0x3;
	s8 =	sadd.s32 s11, s8;
	s12 =	sshrl.u32 s12, $0x3  }
0x13: {  	s16 =	sshrl.u32 s28, $0x3;
	s15 =	sshrl.u32 s15, $0x3;
	s9 =	sadd.s32 s11, s26  }
0x14: {  	s10 =	sadd.s32 s13, s12;
	s29 =	sadd.s32 s13, s16;
	s12 =	smax.u32 s14, $0x1  }
0x15: {  	s13 =	sadd.s32 $0x26C00, s8;
	s14 =	sadd.s32 $0xF00, s31;
	s16 =	simm.s32 $0x3  }
0x16: {  	s26 =	simm.s32 $0x0;
	s9 =	sadd.s32 $0x500, s9;
	s11 =	sadd.s32 $0x27000, s29  }
.LBB2_1:
0x17: {  	[spmem:s15], [sflag:s5] =	dma.local [hbm:s4], $0x2700  }
0x18: {  	_ =	swait.ge [sflag:s16], $0x2700  }
0x19: {  	[sflag:s16] =	ssyncset.done $0x0  }
0x1a: {  	[sflag:s16] =	ssyncadd.s32 $0xFFFFD900  }
0x1b: {  	[tilespmem:s3], [sflag:$0x3] =	stream.linear.gather [hbm4b:s6+s3], $0x3E80, $0x38;
	[tilespmem:$0x1C880] =	vst v63  }
0x1c: {  	_ =	swait.ge [sflag:s16], $0x3E80  }
0x1d: {  	[sflag:s16] =	ssyncset.done $0x0  }
0x1e: {  	s28 =	simm.s32 @!p0 $0x3;
	[sflag:s16] =	ssyncadd.s32 $0xFFFFC180  }
0x1f: {  	[spmem:s17], [sflag:s5] =	dma.local @!p0 [hbm:s7], $0x100  }
0x20: {  	_ =	swait.ge @!p0 [sflag:s28], $0x100  }
0x21: {  	[sflag:s28] =	ssyncset.done @!p0 $0x0  }
0x22: {  	[sflag:s28] =	ssyncadd.s32 @!p0 $0xFFFFFF00  }
0x23: {  	[bflag:$0x0] =	sbarrier.arrive $0xFFFF  }
0x24: {  	[tilespmem:s18], [sflag:$0x1] =	stream.linear.gather [hbm4b:s8+s3], $0x2800, $0x38;
	[tilespmem:$0x1C880] =	vst v63  }
0x25: {  	_ = 	snop  }
0x26: {  	[tilespmem:s19], [sflag:$0x2] =	stream.linear.gather [hbm4b:s9+s3], $0x2800, $0x38;
	[tilespmem:$0x1C880] =	vst v63  }
0x27: {  	_ =	swait.ge [sflag:s20], $0x2800  }
0x28: {  	[sflag:s20] =	ssyncset.done $0x0  }
0x29: {  	s28 =	simm.s32 $0x0;
	[sflag:s20] =	ssyncadd.s32 $0xFFFFD800  }
0x2a: {  	[spmem:s2] =	stream.indirect.scatter.add.f32 [tilespmem:s18], [sflag:$0x3], $0x80, s28, s21, $0xb8;
	[tilespmem:$0x1C880] =	vst v63  }
0x2b: {  	_ =	swait.ge [sflag:s16], $0x2800  }
0x2c: {  	[sflag:s16] =	ssyncset.done $0x0  }
0x2d: {  	s28 =	sadd.s32 $0xFFFFFB00, s14;
	[sflag:s16] =	ssyncadd.s32 $0xFFFFD800  }
0x2e: {  	[tilespmem:s18], [sflag:$0x1] =	stream.linear.gather [hbm4b:s28+s3], $0x2800, $0x38;
	[tilespmem:$0x1C880] =	vst v63  }
0x2f: {  	_ =	swait.ge [sflag:s22], $0x2800  }
0x30: {  	[sflag:s22] =	ssyncset.done $0x0  }
0x31: {  	s28 =	simm.s32 $0x80;
	[sflag:s22] =	ssyncadd.s32 $0xFFFFD800  }
0x32: {  	[spmem:s2] =	stream.indirect.scatter.add.f32 [tilespmem:s19], [sflag:$0x3], $0x80, s28, s21, $0xb8;
	[tilespmem:$0x1C880] =	vst v63  }
0x33: {  	_ =	swait.ge [sflag:s16], $0x2800  }
0x34: {  	s29 =	sadd.s32 $0xA00, s14;
	[sflag:s16] =	ssyncset.done $0x0  }
0x35: {  	s30 =	smov.u32 s14;
	s28 =	simm.s32 $0x400;
	[sflag:s16] =	ssyncadd.s32 $0xFFFFD800  }
.LBB2_2:
0x36: {  	[tilespmem:s19], [sflag:$0x2] =	stream.linear.gather [hbm4b:s30+s3], $0x2800, $0x38;
	[tilespmem:$0x1C880] =	vst v63  }
0x37: {  	s31 =	smov.u32 s28;
	s30 =	smov.u32 s29  }
0x38: {  	p1 =	sne.s32 s28, $0xF000;
	s28 =	sadd.s32 $0x400, s28;
	_ =	swait.ge [sflag:s20], $0x2800  }
0x39: {  	[sflag:s20] =	ssyncset.done $0x0  }
0x3a: {  	s31 =	sshra.s32 s31, $0x2;
	[sflag:s20] =	ssyncadd.s32 $0xFFFFD800  }
0x3b: {  	[spmem:s2] =	stream.indirect.scatter.add.f32 [tilespmem:s18], [sflag:$0x3], $0x80, s31, s21, $0xb8;
	[tilespmem:$0x1C880] =	vst v63  }
0x3c: {  	_ =	swait.ge [sflag:s16], $0x2800  }
0x3d: {  	[sflag:s16] =	ssyncset.done $0x0  }
0x3e: {  	s0 =	sadd.s32 $0xFFFFFB00, s29;
	[sflag:s16] =	ssyncadd.s32 $0xFFFFD800  }
0x3f: {  	[tilespmem:s18], [sflag:$0x1] =	stream.linear.gather [hbm4b:s0+s3], $0x2800, $0x38;
	[tilespmem:$0x1C880] =	vst v63  }
0x40: {  	_ =	swait.ge [sflag:s22], $0x2800  }
0x41: {  	[sflag:s22] =	ssyncset.done $0x0  }
.Ltmp0:
0x42: {  	s0 =	sadd.s32 $0x80, s31;
	[sflag:s22] =	ssyncadd.s32 $0xFFFFD800;
	(pc) =	sbr.rel @p1 .LBB2_2-.Ltmp0, $4  }
0x43: {  	[spmem:s2] =	stream.indirect.scatter.add.f32 [tilespmem:s19], [sflag:$0x3], $0x80, s0, s21, $0xb8;
	[tilespmem:$0x1C880] =	vst v63  }
0x44: {  	_ =	swait.ge [sflag:s16], $0x2800  }
0x45: {  	[sflag:s16] =	ssyncset.done $0x0  }
0x46: {  	s29 =	sadd.s32 $0xA00, s29;
	[sflag:s16] =	ssyncadd.s32 $0xFFFFD800  }
0x47: {  	[tilespmem:s19], [sflag:$0x2] =	stream.linear.gather [hbm4b:s30+s3], $0x2800, $0x38;
	[tilespmem:$0x1C880] =	vst v63  }
0x48: {  	_ =	swait.ge [sflag:s20], $0x2800  }
0x49: {  	[sflag:s20] =	ssyncset.done $0x0  }
0x4a: {  	[sflag:s20] =	ssyncadd.s32 $0xFFFFD800  }
0x4b: {  	[spmem:s2] =	stream.indirect.scatter.add.f32 [tilespmem:s18], [sflag:$0x3], $0x80, s23, s21, $0xb8;
	[tilespmem:$0x1C880] =	vst v63  }
0x4c: {  	_ =	swait.ge [sflag:s16], $0x2800  }
0x4d: {  	[sflag:s16] =	ssyncset.done $0x0  }
0x4e: {  	[sflag:s16] =	ssyncadd.s32 $0xFFFFD800  }
0x4f: {  	[tilespmem:s18], [sflag:$0x1] =	stream.linear.gather [hbm4b:s13+s3], $0x2800, $0x38;
	[tilespmem:$0x1C880] =	vst v63  }
0x50: {  	_ =	swait.ge [sflag:s22], $0x2800  }
0x51: {  	[sflag:s22] =	ssyncset.done $0x0  }
0x52: {  	[sflag:s22] =	ssyncadd.s32 $0xFFFFD800  }
0x53: {  	[spmem:s2] =	stream.indirect.scatter.add.f32 [tilespmem:s19], [sflag:$0x3], $0x80, s24, s21, $0xb8;
	[tilespmem:$0x1C880] =	vst v63  }
0x54: {  	_ =	swait.ge [sflag:s16], $0x2800  }
0x55: {  	[sflag:s16] =	ssyncset.done $0x0  }
0x56: {  	[sflag:s16] =	ssyncadd.s32 $0xFFFFD800  }
0x57: {  	_ =	swait.ge [sflag:s20], $0x2800  }
0x58: {  	[sflag:s20] =	ssyncset.done $0x0  }
0x59: {  	[sflag:s20] =	ssyncadd.s32 $0xFFFFD800  }
0x5a: {  	[spmem:s2] =	stream.indirect.scatter.add.f32 [tilespmem:s18], [sflag:$0x3], $0x80, s25, s21, $0xb8;
	[tilespmem:$0x1C880] =	vst v63  }
0x5b: {  	_ =	swait.ge [sflag:s16], $0x2800  }
0x5c: {  	[sflag:s16] =	ssyncset.done $0x0  }
0x5d: {  	[sflag:s16] =	ssyncadd.s32 $0xFFFFD800  }
0x5e: {  	[bflag:$0x0] =	sbarrier.arrive $0xFFFF  }
0x5f: {  	[hbm:s10], [sflag:s5] =	dma.local [spmem:s15], $0x2700  }
0x60: {  	s26 =	sadd.s32 $0x1, s26;
	_ =	swait.ge [sflag:s16], $0x2700  }
0x61: {  	p1 =	sne.s32 s26, s12;
	[sflag:s16] =	ssyncset.done $0x0  }
.Ltmp1:
0x62: {  	s0 =	simm.s32 @!p0 $0x3;
	[sflag:s16] =	ssyncadd.s32 $0xFFFFD900;
	(pc) =	sbr.rel @p1 .LBB2_1-.Ltmp1, $4  }
0x63: {  	[hbm:s11], [sflag:s5] =	dma.local @!p0 [spmem:s17], $0x100  }
0x64: {  	_ =	swait.ge @!p0 [sflag:s0], $0x100  }
0x65: {  	[sflag:s0] =	ssyncset.done @!p0 $0x0  }
0x66: {  	[sflag:s0] =	ssyncadd.s32 @!p0 $0xFFFFFF00  }
0x67: {  	_ =	sfence.sel $0x180000  }
0x68: {  	[bflag:$0x0] =	sbarrier.arrive $0xFFFF  }
0x69: {  	_ =	strace $0x9000004A  }
0x6a: {  	[bflag:$0x2] =	sbarrier.arrive $0xFFFF  }
0x6b: {  	p0 =	sne.s32 s1, $0x0;
	s0 =	rddreg [dreg:$0x3]  }
0x6c: {  	s0 =	sadd.s32 @!p0 $0x100000, s0  }
0x6d: {  	[sflag:s0] =	ssyncadd.tile.s32 @!p0 $0x1;
	_ =	shalt  }
.Lfunc_end2:
_tile_overlayer_lowered:
.L_overlay_start_2:
0x6e: {  	(tag) =	ssettag $0x2  }
0x6f: {  	s0 =	rddreg [dreg:$0x0];
	s2 =	stileid.u32  }
0x70: {  	s1 =	rddreg [dreg:$0x1];
	p0 =	sne.s32 s2, $0x0  }
0x71: {  	s3 =	rddreg [dreg:$0x2];
	[bflag:$0x3] =	sbarrier.arrive $0xFFFF;
	s2 =	simm.s32 @!p0 $0x1C03  }
0x72: {  	[timem:s3], [sflag:s2] =	dma.local @!p0 [hbm:s0], s1  }
0x73: {  	s0 =	simm.s32 @!p0 $0x3  }
0x74: {  	_ =	swait.ge @!p0 [sflag:s0], s1  }
0x75: {  	s1 =	ssub.s32 @!p0 $0x0, s1;
	[sflag:s0] =	ssyncset.done @!p0 $0x0  }
0x76: {  	[sflag:s0] =	ssyncadd.s32 @!p0 s1  }
0x77: {  	[bflag:$0x3] =	sbarrier.arrive $0xFFFF  }
0x78: {  	_ =	shalt  }

// kernel: kernel.8.cloned.1.call-start
scs
__scs_entry_jumppad:
0x0: {  	(pc) =	sbr.rel $0x88, $3  }
0x1: {  	(tag) =	ssettag $0x0;
	lr =	simm.s32 $0x1  }
0x2: {  	[smem:$0x3F94] =	sst lr;
	_ =	strace $0xD0000000  }
0x3: {  	_ = 	snop  }
0x4: {  	_ = 	snop  }
0x5: {  	_ = 	snop  }
0x6: {  	_ = 	snop  }
0x7: {  	_ = 	snop  }
__scs_overlays_trampoline_lowered:
0x8: {  	[smem:$0x3FA3] =	sst s0  }
0x9: {  	[smem:$0x3FA4] =	sst s1  }
0xa: {  	[smem:$0x3FA5] =	sst s2  }
0xb: {  	[smem:$0x3FA6] =	sst s3  }
0xc: {  	[smem:$0x3FA7] =	sst s4  }
0xd: {  	[smem:$0x3FA8] =	sst s5  }
0xe: {  	[smem:$0x3FA9] =	sst s6  }
0xf: {  	[smem:$0x3FAA] =	sst s7  }
0x10: {  	[smem:$0x3FAB] =	sst s8  }
0x11: {  	[smem:$0x3FAC] =	sst s9;
	s0 =	simm.s32 @!p0 $0x0  }
0x12: {  	s1 =	sld [smem:$0x3F92];
	s0 =	simm.s32 @p0 $0x1  }
0x13: {  	[smem:$0x3FAD] =	sst s0;
	s0 =	simm.s32 @!p1 $0x0  }
0x14: {  	s2 =	sld [smem:$0x3F91];
	s0 =	simm.s32 @p1 $0x1  }
0x15: {  	[smem:$0x3FAE] =	sst s0;
	s0 =	simm.s32 @!p2 $0x0  }
0x16: {  	s3 =	sld [smem:$0x3FDB];
	s0 =	simm.s32 @p2 $0x1  }
0x17: {  	s4 =	simm.s32 $0x1BF5;
	[smem:$0x3FB0] =	sst s0  }
0x18: {  	s0 =	sld [smem:$0x3F93];
	_ =	swait.ge [sflag:s4], $0x0  }
0x19: {  	s7 =	sld [smem:$0x3F94]  }
0x1a: {  	s8 =	sadd.s32 $0xFFFFE003, lr  }
0x1b: {  	s9 =	sadd.s32 $0xFFFFFEF7, lr;
	s5 =	simm.s32 $0xFFFFFFFF;
	p2 =	slt.u32 s8, $0xFFFFF086  }
0x1c: {  	p1 =	slt.u32 s9, $0xF7A;
	s5 =	simm.s32 @!p2 $0x0  }
0x1d: {  	s5 =	simm.s32 @p1 $0x1;
	p0 =	seq.s32 s7, s2  }
0x1e: {  	s7 =	smul.u32 @!p0 $0xF7A, s2;
	p2 =	seq.s32 @!p0 s5, $0x0  }
0x1f: {  	s9 =	smul.u32 $0xF7A, s1;
	s8 =	simm.s32 @!p0 $0x1BF5;
	p2 =	por !p2, p0  }
0x20: {  	[sflag:s8] =	ssyncset.s32 @!p0 $0xFFFFF086;
	s6 =	sadd.s32 @!p0 s3, s7;
	s7 =	simm.s32 @!p0 $0x108  }
0x21: {  	s3 =	sadd.s32 s3, s9;
	s6 =	sadd.s32 @!p0 $0x88, s6;
	s7 =	simm.s32 @p2 $0x1082  }
0x22: {  	[simem:s7], [sflag:s8] =	dma.local @!p0 [hbm:s6], $0xF7A  }
0x23: {  	s9 =	sor.u32 $0xD0000000, s2;
	s6 =	simm.s32 $0x108;
	_ =	swait.ge @!p0 [sflag:s8], $0x0  }
0x24: {  	s3 =	sadd.s32 $0x88, s3;
	s6 =	simm.s32 @!p1 $0x1082;
	[sflag:s4] =	ssyncset.s32 $0xFFFFF086  }
0x25: {  	[simem:s6], [sflag:s4] =	dma.local [hbm:s3], $0xF7A  }
0x26: {  	[smem:$0x3F94] =	sst s1;
	(tag) =	ssettag s2;
	_ =	strace s9  }
0x27: {  	s1 =	sld [smem:$0x3FA4]  }
0x28: {  	s2 =	sld [smem:$0x3FA5]  }
0x29: {  	s4 =	sld [smem:$0x3FA7]  }
0x2a: {  	p0 =	seq.s32 s5, $0x0;
	s5 =	sld [smem:$0x3FA8]  }
0x2b: {  	s6 =	sld [smem:$0x3FA9]  }
0x2c: {  	s7 =	sld [smem:$0x3FAA]  }
0x2d: {  	s3 =	simm.s32 $0x108;
	s8 =	sld [smem:$0x3FAB]  }
0x2e: {  	s3 =	simm.s32 @!p0 $0x1082;
	s9 =	sld [smem:$0x3FAC]  }
0x2f: {  	lr =	sadd.s32 s0, s3;
	s0 =	sld [smem:$0x3FA3]  }
0x30: {  	s3 =	sld [smem:$0x3FA6]  }
0x31: {  	[smem:$0x3FAF] =	sst s10  }
0x32: {  	s10 =	sld [smem:$0x3FAD];
	_ =	sdelay $0x3  }
0x33: {  	p0 =	seq.s32 s10, $0x1;
	s10 =	sld [smem:$0x3FAF];
	_ =	sdelay $0x3  }
0x34: {  	[smem:$0x3FAF] =	sst s10  }
0x35: {  	s10 =	sld [smem:$0x3FAE];
	_ =	sdelay $0x3  }
0x36: {  	p1 =	seq.s32 s10, $0x1;
	s10 =	sld [smem:$0x3FAF];
	_ =	sdelay $0x3  }
0x37: {  	[smem:$0x3FAF] =	sst s10  }
0x38: {  	s10 =	sld [smem:$0x3FB0]  }
0x39: {  	_ = 	snop;
	(pc) =	sbr.ind lr, $3  }
0x3a: {  	_ = 	snop  }
0x3b: {  	_ = 	snop  }
0x3c: {  	p2 =	seq.s32 s10, $0x1;
	s10 =	sld [smem:$0x3FAF]  }
0x3d: {  	_ =	shalt  }
0x3e: {  	_ =	shalt  }
0x3f: {  	_ =	shalt  }
0x40: {  	_ =	shalt  }
0x41: {  	_ =	shalt  }
0x42: {  	_ =	shalt  }
0x43: {  	_ =	shalt  }
0x44: {  	_ =	shalt  }
0x45: {  	_ =	shalt  }
0x46: {  	_ =	shalt  }
0x47: {  	_ =	shalt  }
0x48: {  	_ =	shalt  }
0x49: {  	_ =	shalt  }
0x4a: {  	_ =	shalt  }
0x4b: {  	_ =	shalt  }
0x4c: {  	_ =	shalt  }
0x4d: {  	_ =	shalt  }
0x4e: {  	_ =	shalt  }
0x4f: {  	_ =	shalt  }
0x50: {  	_ =	shalt  }
0x51: {  	_ =	shalt  }
0x52: {  	_ =	shalt  }
0x53: {  	_ =	shalt  }
0x54: {  	_ =	shalt  }
0x55: {  	_ =	shalt  }
0x56: {  	_ =	shalt  }
0x57: {  	_ =	shalt  }
0x58: {  	_ =	shalt  }
0x59: {  	_ =	shalt  }
0x5a: {  	_ =	shalt  }
0x5b: {  	_ =	shalt  }
0x5c: {  	_ =	shalt  }
0x5d: {  	_ =	shalt  }
0x5e: {  	_ =	shalt  }
0x5f: {  	_ =	shalt  }
0x60: {  	_ =	shalt  }
0x61: {  	_ =	shalt  }
0x62: {  	_ =	shalt  }
0x63: {  	_ =	shalt  }
0x64: {  	_ =	shalt  }
0x65: {  	_ =	shalt  }
0x66: {  	_ =	shalt  }
0x67: {  	_ =	shalt  }
0x68: {  	_ =	shalt  }
0x69: {  	_ =	shalt  }
0x6a: {  	_ =	shalt  }
0x6b: {  	_ =	shalt  }
0x6c: {  	_ =	shalt  }
0x6d: {  	_ =	shalt  }
0x6e: {  	_ =	shalt  }
0x6f: {  	_ =	shalt  }
0x70: {  	_ =	shalt  }
0x71: {  	_ =	shalt  }
0x72: {  	_ =	shalt  }
0x73: {  	_ =	shalt  }
0x74: {  	_ =	shalt  }
0x75: {  	_ =	shalt  }
0x76: {  	_ =	shalt  }
0x77: {  	_ =	shalt  }
0x78: {  	_ =	shalt  }
0x79: {  	_ =	shalt  }
0x7a: {  	_ =	shalt  }
0x7b: {  	_ =	shalt  }
0x7c: {  	_ =	shalt  }
0x7d: {  	_ =	shalt  }
0x7e: {  	_ =	shalt  }
0x7f: {  	_ =	shalt  }
0x80: {  	_ =	shalt  }
0x81: {  	_ =	shalt  }
0x82: {  	_ =	shalt  }
0x83: {  	_ =	shalt  }
0x84: {  	_ =	shalt  }
0x85: {  	_ =	shalt  }
0x86: {  	_ =	shalt  }
0x87: {  	_ =	shalt  }
.Lfunc_end0:
.L_simem_size_0:
called_computation_lowered:
.L_overlay_start_0:
0x88: {  	s2 =	sld [smem:$0x3FD9]  }
0x89: {  	s3 =	sld [smem:$0x3FFE];
	_ =	sdelay $0x1  }
0x8a: {  	s1 =	srdreg.scid  }
0x8b: {  	s0 =	sand.u32 $0x1, s1  }
0x8c: {  	s17 =	sshll.u32 s0, $0xA;
	s2 =	sadd.s32 s3, s2  }
0x8d: {  	s2 =	sadd.s32 s2, s17  }
0x8e: {  	[smem:$0x3FBB] =	sst s2  }
0x8f: {  	_ = 	snop  }
0x90: {  	s2 =	sld [smem:$0x3FD0];
	(tm) =	ssettm $0x1  }
0x91: {  	s18 =	sld [smem:$0x3FFB];
	_ =	sdelay $0x3  }
0x92: {  	_ =	strace s18  }
0x93: {  	s3 =	sld [smem:$0x3FFC];
	_ =	sdelay $0x3  }
0x94: {  	_ =	strace s3  }
0x95: {  	s3 =	sld [smem:$0x3FFD];
	_ =	sdelay $0x3  }
0x96: {  	_ =	strace s3  }
0x97: {  	_ =	strace $0x8FFFFFFF  }
0x98: {  	s19 =	sld [smem:$0x3FDB];
	_ =	sdelay $0x1  }
0x99: {  	s4 =	simm.s32 $_scs_section_size  }
0x9a: {  	s5 =	simm.s32 $_size__tile_overlayer_lowered;
	s6 =	simm.s32 $_tile_overlayer_lowered  }
0x9b: {  	s22 =	simm.s32 $0x1BFF;
	s21 =	sshll.u32 s6, $0x1;
	s3 =	sadd.s32 s4, s19  }
0x9c: {  	s7 =	simm.s32 $0x0;
	s20 =	sshll.u32 s5, $0x1;
	s5 =	sadd.s32 s21, s3  }
0x9d: {  	[timem:s7], [sflag:s22] =	dma.local [hbm:s5], s20  }
0x9e: {  	_ =	swait.ge [sflag:s22], s20  }
0x9f: {  	s4 =	ssub.s32 $0x0, s20;
	[sflag:s22] =	ssyncset.done $0x0  }
0xa0: {  	[sflag:s22] =	ssyncadd.s32 s4;
	_ =	sdelay $0x1  }
0xa1: {  	s23 =	simm.s32 $0x1B8B  }
0xa2: {  	_ =	swait.ge [sflag:s23], $0x1  }
0xa3: {  	[sflag:s23] =	ssyncset.done $0x0  }
0xa4: {  	s25 =	simm.s32 $0x1B8E;
	s24 =	sld [smem:$0x3FFE];
	[sflag:s23] =	ssyncadd.s32 $0xFFFFFFFF  }
0xa5: {  	s26 =	simm.s32 $execute0_lowered;
	[smem:$0x3FD2] =	sst s25  }
0xa6: {  	s5 =	sshll.u32 s26, $0x1;
	_ =	strace $0x80000046;
	[dreg:$0x1] =	wrdreg $0xFFFFFFFF  }
0xa7: {  	s28 =	simm.s32 $_size_execute0_lowered;
	s3 =	sadd.s32 s3, s5;
	[dreg:$0x0] =	wrdreg $0x0  }
0xa8: {  	s5 =	sshll.u32 s28, $0x1;
	[dreg:$0x2] =	wrdreg s3  }
0xa9: {  	[dreg:$0x3] =	wrdreg s5  }
0xaa: {  	[dreg:$0x4] =	wrdreg $0xC0  }
0xab: {  	_ =	task [dreg:s7], $0x5FFFF  }
0xac: {  	[dreg:$0x1] =	wrdreg $0xFFFFFFFF  }
0xad: {  	[dreg:$0x0] =	wrdreg $0x60  }
0xae: {  	[dreg:$0x2] =	wrdreg s2  }
0xaf: {  	[dreg:$0x3] =	wrdreg s24  }
0xb0: {  	[dreg:$0x4] =	wrdreg $0x9  }
0xb1: {  	_ =	task.clear_ibuf [dreg:s7], $0x5FFFF;
	_ =	strace $0x90000046  }
0xb2: {  	s29 =	simm.s32 $0x9;
	_ =	strace $0x80000048  }
0xb3: {  	_ =	swait.ge [sflag:s29], $0x1  }
0xb4: {  	[sflag:s29] =	ssyncadd.s32 $0xFFFFFFFF  }
0xb5: {  	_ =	strace $0x90000048  }
0xb6: {  	_ =	sfence  }
0xb7: {  	s30 =	sld [smem:$0x0];
	_ =	sdelay $0x2  }
0xb8: {  	s31 =	sshll.u32 s1, $0xD;
	s1 =	sshrl.u32 s1, $0x2  }
0xb9: {  	s3 =	sand.u32 $0x4000, s31;
	s1 =	sadd.s32 s1, s30  }
0xba: {  	s0 =	sor.u32 s3, s0;
	s1 =	sshll.u32 s1, $0x11  }
0xbb: {  	s0 =	sor.u32 s1, s0  }
0xbc: {  	s0 =	sadd.s32 $0x8F2B, s0  }
0xbd: {  	[sflag:s0] =	ssyncadd.remote.s32 $0x1  }
0xbe: {  	_ =	sfence.sel $0xFFFF  }
0xbf: {  	[dreg:$0x0] =	wrdreg $0xFFFFFFFF;
	(pc) =	sbr.abs _section_cstart, $3  }
0xc0: {  	[dreg:$0x1] =	wrdreg $0xFFFFFFFF  }
0xc1: {  	_ =	task.clear_ibuf [dreg:s7], $0x2FFFF;
	_ =	strace $0x9FFFFFFF  }
0xc2: {  	(tm) =	ssettm $0x7FFFFFFF  }
0xc3: {  	_ =	shalt  }
tec
execute0_lowered:
.L_overlay_start_1:
0x0: {  	(tag) =	ssettag $0x1  }
0x1: {  	s0 =	srdreg.scid  }
0x2: {  	s9 =	stileid.u32;
	s2 =	rddreg [dreg:$0x0]  }
0x3: {  	s4 =	rddreg [dreg:$0x1];
	s3 =	simm.s32 $0x0;
	s10 =	simm.s32 $0x5  }
0x4: {  	s11 =	simm.s32 $0x50;
	s12 =	simm.s32 $0x2780;
	s13 =	simm.s32 $0x4F80  }
0x5: {  	s15 =	simm.s32 $0x7780;
	s17 =	simm.s32 $0x9F80;
	s19 =	simm.s32 $0xC780  }
0x6: {  	s21 =	simm.s32 $0xEF80;
	s23 =	simm.s32 $0x11780;
	s25 =	simm.s32 $0x13F80  }
0x7: {  	s28 =	simm.s32 $0x16780;
	s30 =	simm.s32 $0x18F80;
	s31 =	simm.s32 $0x1  }
0x8: {  	s14 =	simm.s32 $0x4;
	s22 =	simm.s32 $0x2670;
	s24 =	simm.s32 $0x26C0  }
0x9: {  	s0 =	sand.u32 $0x1, s0;
	s1 =	sshll.u32 s9, $0x1;
	s9 =	smul.u32 $0x4E200, s9  }
0xa: {  	s1 =	sor.u32 s0, s1;
	s29 =	ssub.s32 $0x2, s0;
	s0 =	smul.u32 $0x27100, s0  }
0xb: {  	[smem:$0x7FF] =	sst s3;
	s7 =	sadd.s32 $0x15800, s4;
	s5 =	smul.u32 $0x2710, s1  }
0xc: {  	s26 =	simm.s32 $0x0;
	_ =	strace $0x80000047;
	s6 =	smul.u32 $0x138800, s1  }
0xd: {  	s1 =	smul.u32 $0x27100, s1;
	s8 =	sshrl.u32 s29, $0x1;
	s9 =	sadd.s32 s9, s7  }
0xe: {  	s8 =	ssub.s32 s29, s8;
	s0 =	sadd.s32 s0, s9;
	s5 =	sshrl.u32 s5, $0x3  }
0xf: {  	s6 =	sshrl.u32 s6, $0x3;
	s1 =	sadd.s32 s7, s1;
	s9 =	sadd.s32 $0x1900, s0  }
0x10: {  	s0 =	simm.s32 $0x2;
	s5 =	sadd.s32 s5, s4;
	s6 =	sadd.s32 s7, s6  }
0x11: {  	s7 =	sadd.s32 $0x22600, s1;
	s4 =	sadd.s32 $0xBA00, s5;
	s5 =	sadd.s32 $0x25800, s6  }
0x12: {  	s6 =	smax.u32 s8, $0x1;
	s8 =	sadd.s32 $0x23F00, s1;
	s1 =	simm.s32 $0x3  }
.LBB2_1:
0x13: {  	[tilespmem:s3], [sflag:$0x5] =	stream.linear.gather [hbm4b:s4+s3], $0x2710, $0x38;
	[tilespmem:$0x1B780] =	vst v63  }
0x14: {  	_ =	swait.ge [sflag:s10], $0x2710  }
0x15: {  	[sflag:s10] =	ssyncset.done $0x0  }
0x16: {  	[sflag:s10] =	ssyncadd.s32 $0xFFFFD8F0  }
0x17: {  	[tilespmem:s12], [sflag:$0x1] =	stream.indirect.gather [hbm4b:s2+s11], $0x80, s3, s11, $0xb8;
	[tilespmem:$0x1B780] =	vst v63  }
0x18: {  	_ = 	snop  }
0x19: {  	[tilespmem:s13], [sflag:$0x1] =	stream.indirect.gather [hbm4b:s2+s11], $0x80, s11, s11, $0xb8;
	[tilespmem:$0x1B780] =	vst v63  }
0x1a: {  	s16 =	simm.s32 $0xA0  }
0x1b: {  	[tilespmem:s15], [sflag:$0x1] =	stream.indirect.gather [hbm4b:s2+s11], $0x80, s16, s11, $0xb8;
	[tilespmem:$0x1B780] =	vst v63  }
0x1c: {  	s20 =	simm.s32 $0xF0  }
0x1d: {  	[tilespmem:s17], [sflag:$0x1] =	stream.indirect.gather [hbm4b:s2+s11], $0x80, s20, s11, $0xb8;
	[tilespmem:$0x1B780] =	vst v63  }
0x1e: {  	s18 =	simm.s32 $0x140  }
0x1f: {  	[tilespmem:s19], [sflag:$0x1] =	stream.indirect.gather [hbm4b:s2+s11], $0x80, s18, s11, $0xb8;
	[tilespmem:$0x1B780] =	vst v63  }
0x20: {  	s20 =	simm.s32 $0x190  }
0x21: {  	[tilespmem:s21], [sflag:$0x2] =	stream.indirect.gather [hbm4b:s2+s11], $0x80, s20, s11, $0xb8;
	[tilespmem:$0x1B780] =	vst v63  }
0x22: {  	s18 =	simm.s32 $0x1E0  }
0x23: {  	[tilespmem:s23], [sflag:$0x2] =	stream.indirect.gather [hbm4b:s2+s11], $0x80, s18, s11, $0xb8;
	[tilespmem:$0x1B780] =	vst v63  }
0x24: {  	s20 =	simm.s32 $0x230  }
0x25: {  	[tilespmem:s25], [sflag:$0x2] =	stream.indirect.gather [hbm4b:s2+s11], $0x80, s20, s11, $0xb8;
	[tilespmem:$0x1B780] =	vst v63  }
0x26: {  	s18 =	simm.s32 $0x280  }
0x27: {  	[tilespmem:s28], [sflag:$0x2] =	stream.indirect.gather [hbm4b:s2+s11], $0x80, s18, s11, $0xb8;
	[tilespmem:$0x1B780] =	vst v63  }
0x28: {  	s20 =	simm.s32 $0x2D0  }
0x29: {  	[tilespmem:s30], [sflag:$0x2] =	stream.indirect.gather [hbm4b:s2+s11], $0x80, s20, s11, $0xb8;
	[tilespmem:$0x1B780] =	vst v63  }
0x2a: {  	_ =	swait.ge [sflag:s31], $0x2800  }
0x2b: {  	[sflag:s31] =	ssyncset.done $0x0  }
0x2c: {  	[sflag:s31] =	ssyncadd.s32 $0xFFFFD800  }
0x2d: {  	_ =	swait.ge [sflag:s31], $0x2800  }
0x2e: {  	[sflag:s31] =	ssyncset.done $0x0  }
0x2f: {  	[sflag:s31] =	ssyncadd.s32 $0xFFFFD800  }
0x30: {  	_ =	swait.ge [sflag:s31], $0x2800  }
0x31: {  	[sflag:s31] =	ssyncset.done $0x0  }
0x32: {  	[sflag:s31] =	ssyncadd.s32 $0xFFFFD800  }
0x33: {  	_ =	swait.ge [sflag:s31], $0x2800  }
0x34: {  	[sflag:s31] =	ssyncset.done $0x0  }
0x35: {  	[sflag:s31] =	ssyncadd.s32 $0xFFFFD800  }
0x36: {  	_ =	swait.ge [sflag:s31], $0x2800  }
0x37: {  	[sflag:s31] =	ssyncset.done $0x0  }
0x38: {  	s18 =	sadd.s32 $0xFFFFE700, s9;
	[sflag:s31] =	ssyncadd.s32 $0xFFFFD800  }
0x39: {  	[hbm4b:s18+s3] =	stream.linear.scatter [tilespmem:s12], [sflag:$0x3], $0xC800, $0x38;
	[tilespmem:$0x1B780] =	vst v63  }
0x3a: {  	_ =	swait.ge [sflag:s1], $0xC800  }
0x3b: {  	[sflag:s1] =	ssyncset.done $0x0  }
0x3c: {  	s20 =	simm.s32 $0x320;
	[sflag:s1] =	ssyncadd.s32 $0xFFFF3800  }
0x3d: {  	[tilespmem:s12], [sflag:$0x1] =	stream.indirect.gather [hbm4b:s2+s11], $0x80, s20, s11, $0xb8;
	[tilespmem:$0x1B780] =	vst v63  }
0x3e: {  	s18 =	simm.s32 $0x370  }
0x3f: {  	[tilespmem:s13], [sflag:$0x1] =	stream.indirect.gather [hbm4b:s2+s11], $0x80, s18, s11, $0xb8;
	[tilespmem:$0x1B780] =	vst v63  }
0x40: {  	s20 =	simm.s32 $0x3C0  }
0x41: {  	[tilespmem:s15], [sflag:$0x1] =	stream.indirect.gather [hbm4b:s2+s11], $0x80, s20, s11, $0xb8;
	[tilespmem:$0x1B780] =	vst v63  }
0x42: {  	s18 =	simm.s32 $0x410  }
0x43: {  	[tilespmem:s17], [sflag:$0x1] =	stream.indirect.gather [hbm4b:s2+s11], $0x80, s18, s11, $0xb8;
	[tilespmem:$0x1B780] =	vst v63  }
0x44: {  	s20 =	simm.s32 $0x460  }
0x45: {  	[tilespmem:s19], [sflag:$0x1] =	stream.indirect.gather [hbm4b:s2+s11], $0x80, s20, s11, $0xb8;
	[tilespmem:$0x1B780] =	vst v63  }
0x46: {  	_ =	swait.ge [sflag:s0], $0x2800  }
0x47: {  	[sflag:s0] =	ssyncset.done $0x0  }
0x48: {  	[sflag:s0] =	ssyncadd.s32 $0xFFFFD800  }
0x49: {  	_ =	swait.ge [sflag:s0], $0x2800  }
0x4a: {  	[sflag:s0] =	ssyncset.done $0x0  }
0x4b: {  	[sflag:s0] =	ssyncadd.s32 $0xFFFFD800  }
0x4c: {  	_ =	swait.ge [sflag:s0], $0x2800  }
0x4d: {  	[sflag:s0] =	ssyncset.done $0x0  }
0x4e: {  	[sflag:s0] =	ssyncadd.s32 $0xFFFFD800  }
0x4f: {  	_ =	swait.ge [sflag:s0], $0x2800  }
0x50: {  	[sflag:s0] =	ssyncset.done $0x0  }
0x51: {  	[sflag:s0] =	ssyncadd.s32 $0xFFFFD800  }
0x52: {  	_ =	swait.ge [sflag:s0], $0x2800  }
0x53: {  	[sflag:s0] =	ssyncset.done $0x0  }
0x54: {  	[sflag:s0] =	ssyncadd.s32 $0xFFFFD800  }
0x55: {  	[hbm4b:s9+s3] =	stream.linear.scatter [tilespmem:s21], [sflag:$0x4], $0xC800, $0x38;
	[tilespmem:$0x1B780] =	vst v63  }
0x56: {  	_ =	swait.ge [sflag:s14], $0xC800  }
0x57: {  	[sflag:s14] =	ssyncset.done $0x0  }
0x58: {  	s18 =	simm.s32 $0x4B0;
	[sflag:s14] =	ssyncadd.s32 $0xFFFF3800  }
0x59: {  	[tilespmem:s21], [sflag:$0x2] =	stream.indirect.gather [hbm4b:s2+s11], $0x80, s18, s11, $0xb8;
	[tilespmem:$0x1B780] =	vst v63  }
0x5a: {  	s20 =	simm.s32 $0x500  }
0x5b: {  	[tilespmem:s23], [sflag:$0x2] =	stream.indirect.gather [hbm4b:s2+s11], $0x80, s20, s11, $0xb8;
	[tilespmem:$0x1B780] =	vst v63  }
0x5c: {  	s29 =	simm.s32 $0xC80;
	s18 =	simm.s32 $0x550  }
0x5d: {  	[tilespmem:s25], [sflag:$0x2] =	stream.indirect.gather [hbm4b:s2+s11], $0x80, s18, s11, $0xb8;
	[tilespmem:$0x1B780] =	vst v63  }
0x5e: {  	s16 =	sadd.s32 $0x3200, s9;
	s20 =	simm.s32 $0x5A0;
	s18 =	simm.s32 $0x5F0  }
0x5f: {  	[tilespmem:s28], [sflag:$0x2] =	stream.indirect.gather [hbm4b:s2+s11], $0x80, s20, s11, $0xb8;
	[tilespmem:$0x1B780] =	vst v63  }
.LBB2_2:
0x60: {  	[tilespmem:s30], [sflag:$0x2] =	stream.indirect.gather [hbm4b:s2+s11], $0x80, s18, s11, $0xb8;
	[tilespmem:$0x1B780] =	vst v63  }
0x61: {  	s18 =	smov.u32 s29  }
0x62: {  	p0 =	sne.s32 s29, $0x7D00;
	s29 =	sadd.s32 $0xC80, s29;
	_ =	swait.ge [sflag:s31], $0x2800  }
0x63: {  	[sflag:s31] =	ssyncset.done $0x0  }
0x64: {  	[sflag:s31] =	ssyncadd.s32 $0xFFFFD800  }
0x65: {  	_ =	swait.ge [sflag:s31], $0x2800  }
0x66: {  	[sflag:s31] =	ssyncset.done $0x0  }
0x67: {  	[sflag:s31] =	ssyncadd.s32 $0xFFFFD800  }
0x68: {  	_ =	swait.ge [sflag:s31], $0x2800  }
0x69: {  	[sflag:s31] =	ssyncset.done $0x0  }
0x6a: {  	[sflag:s31] =	ssyncadd.s32 $0xFFFFD800  }
0x6b: {  	_ =	swait.ge [sflag:s31], $0x2800  }
0x6c: {  	[sflag:s31] =	ssyncset.done $0x0  }
0x6d: {  	[sflag:s31] =	ssyncadd.s32 $0xFFFFD800  }
0x6e: {  	_ =	swait.ge [sflag:s31], $0x2800  }
0x6f: {  	[sflag:s31] =	ssyncset.done $0x0  }
0x70: {  	s20 =	sadd.s32 $0xFFFFE700, s16;
	[sflag:s31] =	ssyncadd.s32 $0xFFFFD800  }
0x71: {  	[hbm4b:s20+s3] =	stream.linear.scatter [tilespmem:s12], [sflag:$0x3], $0xC800, $0x38;
	[tilespmem:$0x1B780] =	vst v63  }
0x72: {  	_ =	swait.ge [sflag:s1], $0xC800  }
0x73: {  	s18 =	sshra.s32 s18, $0x2;
	[sflag:s1] =	ssyncset.done $0x0  }
0x74: {  	s20 =	sadd.s32 $0x320, s18;
	[sflag:s1] =	ssyncadd.s32 $0xFFFF3800  }
0x75: {  	[tilespmem:s12], [sflag:$0x1] =	stream.indirect.gather [hbm4b:s2+s11], $0x80, s20, s11, $0xb8;
	[tilespmem:$0x1B780] =	vst v63  }
0x76: {  	s20 =	sadd.s32 $0x370, s18  }
0x77: {  	[tilespmem:s13], [sflag:$0x1] =	stream.indirect.gather [hbm4b:s2+s11], $0x80, s20, s11, $0xb8;
	[tilespmem:$0x1B780] =	vst v63  }
0x78: {  	s20 =	sadd.s32 $0x3C0, s18  }
0x79: {  	[tilespmem:s15], [sflag:$0x1] =	stream.indirect.gather [hbm4b:s2+s11], $0x80, s20, s11, $0xb8;
	[tilespmem:$0x1B780] =	vst v63  }
0x7a: {  	s20 =	sadd.s32 $0x410, s18  }
0x7b: {  	[tilespmem:s17], [sflag:$0x1] =	stream.indirect.gather [hbm4b:s2+s11], $0x80, s20, s11, $0xb8;
	[tilespmem:$0x1B780] =	vst v63  }
0x7c: {  	s20 =	sadd.s32 $0x460, s18  }
0x7d: {  	[tilespmem:s19], [sflag:$0x1] =	stream.indirect.gather [hbm4b:s2+s11], $0x80, s20, s11, $0xb8;
	[tilespmem:$0x1B780] =	vst v63  }
0x7e: {  	_ =	swait.ge [sflag:s0], $0x2800  }
0x7f: {  	[sflag:s0] =	ssyncset.done $0x0  }
0x80: {  	[sflag:s0] =	ssyncadd.s32 $0xFFFFD800  }
0x81: {  	_ =	swait.ge [sflag:s0], $0x2800  }
0x82: {  	[sflag:s0] =	ssyncset.done $0x0  }
0x83: {  	[sflag:s0] =	ssyncadd.s32 $0xFFFFD800  }
0x84: {  	_ =	swait.ge [sflag:s0], $0x2800  }
0x85: {  	[sflag:s0] =	ssyncset.done $0x0  }
0x86: {  	[sflag:s0] =	ssyncadd.s32 $0xFFFFD800  }
0x87: {  	_ =	swait.ge [sflag:s0], $0x2800  }
0x88: {  	[sflag:s0] =	ssyncset.done $0x0  }
0x89: {  	[sflag:s0] =	ssyncadd.s32 $0xFFFFD800  }
0x8a: {  	_ =	swait.ge [sflag:s0], $0x2800  }
0x8b: {  	[sflag:s0] =	ssyncset.done $0x0  }
0x8c: {  	[sflag:s0] =	ssyncadd.s32 $0xFFFFD800  }
0x8d: {  	[hbm4b:s16+s3] =	stream.linear.scatter [tilespmem:s21], [sflag:$0x4], $0xC800, $0x38;
	[tilespmem:$0x1B780] =	vst v63  }
0x8e: {  	_ =	swait.ge [sflag:s14], $0xC800  }
0x8f: {  	[sflag:s14] =	ssyncset.done $0x0  }
0x90: {  	s20 =	sadd.s32 $0x4B0, s18;
	[sflag:s14] =	ssyncadd.s32 $0xFFFF3800  }
0x91: {  	[tilespmem:s21], [sflag:$0x2] =	stream.indirect.gather [hbm4b:s2+s11], $0x80, s20, s11, $0xb8;
	[tilespmem:$0x1B780] =	vst v63  }
0x92: {  	s20 =	sadd.s32 $0x500, s18  }
0x93: {  	[tilespmem:s23], [sflag:$0x2] =	stream.indirect.gather [hbm4b:s2+s11], $0x80, s20, s11, $0xb8;
	[tilespmem:$0x1B780] =	vst v63  }
.Ltmp0:
0x94: {  	s20 =	sadd.s32 $0x550, s18;
	(pc) =	sbr.rel @p0 .LBB2_2-.Ltmp0, $4  }
0x95: {  	[tilespmem:s25], [sflag:$0x2] =	stream.indirect.gather [hbm4b:s2+s11], $0x80, s20, s11, $0xb8;
	[tilespmem:$0x1B780] =	vst v63  }
0x96: {  	s20 =	sadd.s32 $0x5A0, s18  }
0x97: {  	[tilespmem:s28], [sflag:$0x2] =	stream.indirect.gather [hbm4b:s2+s11], $0x80, s20, s11, $0xb8;
	[tilespmem:$0x1B780] =	vst v63  }
0x98: {  	s16 =	sadd.s32 $0x3200, s16;
	s18 =	sadd.s32 $0x5F0, s18  }
0x99: {  	[tilespmem:s30], [sflag:$0x2] =	stream.indirect.gather [hbm4b:s2+s11], $0x80, s18, s11, $0xb8;
	[tilespmem:$0x1B780] =	vst v63  }
0x9a: {  	_ =	swait.ge [sflag:s31], $0x2800  }
0x9b: {  	[sflag:s31] =	ssyncset.done $0x0  }
0x9c: {  	[sflag:s31] =	ssyncadd.s32 $0xFFFFD800  }
0x9d: {  	_ =	swait.ge [sflag:s31], $0x2800  }
0x9e: {  	[sflag:s31] =	ssyncset.done $0x0  }
0x9f: {  	[sflag:s31] =	ssyncadd.s32 $0xFFFFD800  }
0xa0: {  	_ =	swait.ge [sflag:s31], $0x2800  }
0xa1: {  	[sflag:s31] =	ssyncset.done $0x0  }
0xa2: {  	[sflag:s31] =	ssyncadd.s32 $0xFFFFD800  }
0xa3: {  	_ =	swait.ge [sflag:s31], $0x2800  }
0xa4: {  	[sflag:s31] =	ssyncset.done $0x0  }
0xa5: {  	[sflag:s31] =	ssyncadd.s32 $0xFFFFD800  }
0xa6: {  	_ =	swait.ge [sflag:s31], $0x2800  }
0xa7: {  	[sflag:s31] =	ssyncset.done $0x0  }
0xa8: {  	[sflag:s31] =	ssyncadd.s32 $0xFFFFD800  }
0xa9: {  	[hbm4b:s7+s3] =	stream.linear.scatter [tilespmem:s12], [sflag:$0x3], $0xC800, $0x38;
	[tilespmem:$0x1B780] =	vst v63  }
0xaa: {  	_ =	swait.ge [sflag:s1], $0xC800  }
0xab: {  	[sflag:s1] =	ssyncset.done $0x0  }
0xac: {  	s16 =	simm.s32 $0x2580;
	[sflag:s1] =	ssyncadd.s32 $0xFFFF3800  }
0xad: {  	[tilespmem:s12], [sflag:$0x1] =	stream.indirect.gather [hbm4b:s2+s11], $0x80, s16, s11, $0xb8;
	[tilespmem:$0x1B780] =	vst v63  }
0xae: {  	s20 =	simm.s32 $0x25D0  }
0xaf: {  	[tilespmem:s13], [sflag:$0x1] =	stream.indirect.gather [hbm4b:s2+s11], $0x80, s20, s11, $0xb8;
	[tilespmem:$0x1B780] =	vst v63  }
0xb0: {  	s29 =	simm.s32 $0x2620  }
0xb1: {  	[tilespmem:s15], [sflag:$0x1] =	stream.indirect.gather [hbm4b:s2+s11], $0x80, s29, s11, $0xb8;
	[tilespmem:$0x1B780] =	vst v63  }
0xb2: {  	_ = 	snop  }
0xb3: {  	[tilespmem:s17], [sflag:$0x1] =	stream.indirect.gather [hbm4b:s2+s11], $0x80, s22, s11, $0xb8;
	[tilespmem:$0x1B780] =	vst v63  }
0xb4: {  	_ = 	snop  }
0xb5: {  	[tilespmem:s19], [sflag:$0x1] =	stream.indirect.gather [hbm4b:s2+s11], $0x80, s24, s11, $0xb8;
	[tilespmem:$0x1B780] =	vst v63  }
0xb6: {  	_ =	swait.ge [sflag:s0], $0x2800  }
0xb7: {  	[sflag:s0] =	ssyncset.done $0x0  }
0xb8: {  	[sflag:s0] =	ssyncadd.s32 $0xFFFFD800  }
0xb9: {  	_ =	swait.ge [sflag:s0], $0x2800  }
0xba: {  	[sflag:s0] =	ssyncset.done $0x0  }
0xbb: {  	[sflag:s0] =	ssyncadd.s32 $0xFFFFD800  }
0xbc: {  	_ =	swait.ge [sflag:s0], $0x2800  }
0xbd: {  	[sflag:s0] =	ssyncset.done $0x0  }
0xbe: {  	[sflag:s0] =	ssyncadd.s32 $0xFFFFD800  }
0xbf: {  	_ =	swait.ge [sflag:s0], $0x2800  }
0xc0: {  	[sflag:s0] =	ssyncset.done $0x0  }
0xc1: {  	[sflag:s0] =	ssyncadd.s32 $0xFFFFD800  }
0xc2: {  	_ =	swait.ge [sflag:s0], $0x2800  }
0xc3: {  	[sflag:s0] =	ssyncset.done $0x0  }
0xc4: {  	[sflag:s0] =	ssyncadd.s32 $0xFFFFD800  }
0xc5: {  	[hbm4b:s8+s3] =	stream.linear.scatter [tilespmem:s21], [sflag:$0x4], $0xC800, $0x38;
	[tilespmem:$0x1B780] =	vst v63  }
0xc6: {  	_ =	swait.ge [sflag:s14], $0xC800  }
0xc7: {  	[sflag:s14] =	ssyncset.done $0x0  }
0xc8: {  	[sflag:s14] =	ssyncadd.s32 $0xFFFF3800  }
0xc9: {  	_ =	swait.ge [sflag:s31], $0x2800  }
0xca: {  	[sflag:s31] =	ssyncset.done $0x0  }
0xcb: {  	[sflag:s31] =	ssyncadd.s32 $0xFFFFD800  }
0xcc: {  	_ =	swait.ge [sflag:s31], $0x2800  }
0xcd: {  	[sflag:s31] =	ssyncset.done $0x0  }
0xce: {  	[sflag:s31] =	ssyncadd.s32 $0xFFFFD800  }
0xcf: {  	_ =	swait.ge [sflag:s31], $0x2800  }
0xd0: {  	[sflag:s31] =	ssyncset.done $0x0  }
0xd1: {  	[sflag:s31] =	ssyncadd.s32 $0xFFFFD800  }
0xd2: {  	_ =	swait.ge [sflag:s31], $0x2800  }
0xd3: {  	[sflag:s31] =	ssyncset.done $0x0  }
0xd4: {  	[sflag:s31] =	ssyncadd.s32 $0xFFFFD800  }
0xd5: {  	s26 =	sadd.s32 $0x1, s26;
	_ =	swait.ge [sflag:s31], $0x2800  }
0xd6: {  	p0 =	sne.s32 s26, s6;
	[sflag:s31] =	ssyncset.done $0x0  }
.Ltmp1:
0xd7: {  	[sflag:s31] =	ssyncadd.s32 $0xFFFFD800;
	(pc) =	sbr.rel @p0 .LBB2_1-.Ltmp1, $4  }
0xd8: {  	[hbm4b:s5+s3] =	stream.linear.scatter [tilespmem:s12], [sflag:$0x3], $0xC800, $0x38;
	[tilespmem:$0x1B780] =	vst v63  }
0xd9: {  	_ =	swait.ge [sflag:s1], $0xC800  }
0xda: {  	[sflag:s1] =	ssyncset.done $0x0  }
0xdb: {  	[sflag:s1] =	ssyncadd.s32 $0xFFFF3800  }
0xdc: {  	_ =	sfence.sel $0x180000  }
0xdd: {  	[bflag:$0x0] =	sbarrier.arrive $0xFFFF  }
0xde: {  	_ =	strace $0x90000047  }
0xdf: {  	s0 =	stileid.u32;
	[bflag:$0x2] =	sbarrier.arrive $0xFFFF  }
0xe0: {  	p0 =	sne.s32 s0, $0x0;
	s0 =	rddreg [dreg:$0x2]  }
0xe1: {  	s0 =	sadd.s32 @!p0 $0x100000, s0  }
0xe2: {  	[sflag:s0] =	ssyncadd.tile.s32 @!p0 $0x1;
	_ =	shalt  }
.Lfunc_end2:
_tile_overlayer_lowered:
.L_overlay_start_2:
0xe3: {  	(tag) =	ssettag $0x2  }
0xe4: {  	s0 =	rddreg [dreg:$0x0];
	s2 =	stileid.u32  }
0xe5: {  	s1 =	rddreg [dreg:$0x1];
	p0 =	sne.s32 s2, $0x0  }
0xe6: {  	s3 =	rddreg [dreg:$0x2];
	[bflag:$0x3] =	sbarrier.arrive $0xFFFF;
	s2 =	simm.s32 @!p0 $0x1C05  }
0xe7: {  	[timem:s3], [sflag:s2] =	dma.local @!p0 [hbm:s0], s1  }
0xe8: {  	s0 =	simm.s32 @!p0 $0x5  }
0xe9: {  	_ =	swait.ge @!p0 [sflag:s0], s1  }
0xea: {  	s1 =	ssub.s32 @!p0 $0x0, s1;
	[sflag:s0] =	ssyncset.done @!p0 $0x0  }
0xeb: {  	[sflag:s0] =	ssyncadd.s32 @!p0 s1  }
0xec: {  	[bflag:$0x3] =	sbarrier.arrive $0xFFFF  }
0xed: {  	_ =	shalt  }

</sc_bundles>
